<compile_context>
chip_gen: v7x
topology: tpu7x:2x2x1
jax: 0.10.2.dev20260603
libtpu: 0.0.44.dev20260713+nightly
codegen_flags: <defaults>
</compile_context>

<pallas_src>
import functools

import jax
import jax.numpy as jnp
from jax import lax
from jax.experimental import pallas as pl
from jax.experimental.pallas import tpu as pltpu
from jax.experimental.pallas import tpu_sc as plsc

_PART = (0, 0, 0, 0,
         1, 1, 1, 2,
         2, 2, 2, 2, 2, 2,
         3, 3, 3, 3, 3, 3,
         4, 4, 4, 4, 4, 4)

_NW = 32


def kernel(body):
    N, C, T, P = body.shape
    J = 26
    x = jnp.transpose(body, (2, 3, 1, 0))
    mesh = plsc.VectorSubcoreMesh(core_axis_name="c", subcore_axis_name="s")
    n_iter = (T + _NW - 1) // _NW

    @functools.partial(
        pl.kernel,
        mesh=mesh,
        out_type=jax.ShapeDtypeStruct((T, J, C, N), jnp.float32),
        scratch_types=[
            pltpu.VMEM((P, C, N), jnp.float32),
            pltpu.SemaphoreType.DMA,
        ],
    )
    def k(x_hbm, out_hbm, stage, sem):
        wid = lax.axis_index("s") * 2 + lax.axis_index("c")

        def body_t(i, carry):
            t = wid + i * _NW

            @pl.when(t < T)
            def _():
                loads = [
                    pltpu.async_copy(x_hbm.at[t, p], stage.at[p], sem)
                    for p in range(P)
                ]
                prev = -1
                for j in range(J):
                    p = _PART[j]
                    if p != prev:
                        loads[p].wait()
                        prev = p
                    pltpu.sync_copy(stage.at[p], out_hbm.at[t, j])

            return carry

        lax.fori_loop(0, n_iter, body_t, 0)

    out = k(x)
    return jnp.transpose(out, (3, 2, 0, 1))

# --- scband reference (transcript-rebuilt; emitter-appended) ---
"""Pipeline reference for scband-body-local-inform-67568425501181 (READ-ONLY COPY).

The authoritative reference and input builder live on the scoring server;
editing this copy changes nothing except your own understanding.
"""

import jax, jax.numpy as jnp
import numpy as np

# Mapping from each of the 26 output joints to the source body-part channel.
# left_leg [0,1,2,3] <- part 0,0,0,0; right_leg [4,5,6,7] <- part 1,1,1,2;
# torso [8..13] <- part 2; left_arm [14..19] <- part 3; right_arm [20..25] <- part 4.
_JOINT_TO_PART = jnp.array([0, 0, 0, 0,
                            1, 1, 1, 2,
                            2, 2, 2, 2, 2, 2,
                            3, 3, 3, 3, 3, 3,
                            4, 4, 4, 4, 4, 4], dtype=jnp.int32)


def setup_inputs(seed: int = 0) -> dict:
    key = jax.random.key(seed)
    body = jax.random.normal(key, (256, 64, 300, 5), dtype=jnp.float32)
    return {"body": body}


def reference(body):
    # Faithful translation of BodyLocalInform.forward:
    # x[:, :, :, left_leg]  = body[..., 0] repeated 4x
    # x[:, :, :, right_leg] = body[..., 1] x3, body[..., 2] x1
    # x[:, :, :, torso]     = body[..., 2] repeated 6x
    # x[:, :, :, left_arm]  = body[..., 3] repeated 6x
    # x[:, :, :, right_arm] = body[..., 4] repeated 6x
    # Because the scatter destinations are disjoint and cover all 26 joints,
    # this is exactly a gather along the last axis.
    x = jnp.take(body, _JOINT_TO_PART, axis=3)
    return x

if __name__ == "__main__":
    import jax
    _d = setup_inputs()
    print(jax.jit(kernel)(*tuple(_d.values())))

</pallas_src>

<mosaic_0001>
#map = affine_map<(d0, d1) -> (0, 0, 0, 0)>
module attributes {stable_mosaic.version = 14 : i64} {
  func.func @k(%arg0: i32, %arg1: i32, %arg2: memref<300x5x64x256xf32, #tpu.memory_space<hbm>>, %arg3: memref<300x26x64x256xf32, #tpu.memory_space<hbm>>, %arg4: memref<5x64x256xf32, #tpu.memory_space<vmem>>, %arg5: memref<!tpu.dma_semaphore, #tpu.memory_space<semaphore_mem>>) attributes {dimension_semantics = [#tpu.dimension_semantics<core_parallel>, #tpu.dimension_semantics<subcore_parallel>], iteration_bounds = array<i64: 2, 16>, scalar_prefetch = 0 : i64, scratch_operands = 2 : i64, tpu.core_type = #tpu.core_type<sc_vector_subcore>, window_params = [{transform_indices = #map}, {transform_indices = #map}]} {
    %mul3A = arith.constant 2 : i32
    %mul3A_0 = arith.muli %arg1, %mul3A : i32
    %add3A = arith.addi %mul3A_0, %arg0 : i32
    %scan3A = arith.constant 0 : i32
    %scan3A_1 = arith.constant 0 : i32
    %scan3A_2 = arith.constant 10 : i32
    %scan3A_3 = arith.addi %scan3A_1, %scan3A_2 : i32
    %scan3A_4 = arith.constant 1 : i32
    scf.for %scan3A_6 = %scan3A_1 to %scan3A_3 step %scan3A_4  : i32 {
      %mul3A_7 = arith.constant 32 : i32
      %mul3A_8 = arith.muli %scan3A_6, %mul3A_7 : i32
      %add3A_9 = arith.addi %add3A, %mul3A_8 : i32
      %lt3A = arith.constant 300 : i32
      %lt3A_10 = arith.cmpi slt, %add3A_9, %lt3A : i32
      %convert_element_type3A = arith.extui %lt3A_10 : i1 to i32
      %cond3A = arith.constant 0 : i32
      %cond3A_11 = arith.cmpi ne, %convert_element_type3A, %cond3A : i32
      scf.if %cond3A_11 {
        %dma_start3A = arith.constant 0 : i32
        %dma_start3A_12 = arith.constant 0 : i32
        %dma_start3A_13 = arith.constant 0 : i32
        %dma_start3A_14 = arith.constant 0 : i32
        %dma_start3A_15 = tpu.memref_slice %arg4[%dma_start3A_12, %dma_start3A_13, %dma_start3A_14] : memref<5x64x256xf32, #tpu.memory_space<vmem>> -> memref<1x64x256xf32, #tpu.memory_space<vmem>>
        %dma_start3A_16 = tpu.memref_squeeze %dma_start3A_15 : memref<1x64x256xf32, #tpu.memory_space<vmem>> -> memref<64x256xf32, #tpu.memory_space<vmem>>
        %dma_start3A_17 = arith.constant 0 : i32
        %dma_start3A_18 = arith.constant 0 : i32
        %dma_start3A_19 = tpu.memref_slice %arg2[%add3A_9, %dma_start3A, %dma_start3A_17, %dma_start3A_18] : memref<300x5x64x256xf32, #tpu.memory_space<hbm>> -> memref<1x1x64x256xf32, #tpu.memory_space<hbm>>
        %dma_start3A_20 = tpu.memref_squeeze %dma_start3A_19 : memref<1x1x64x256xf32, #tpu.memory_space<hbm>> -> memref<64x256xf32, #tpu.memory_space<hbm>>
        %dma_start3A_21 = arith.constant 0 : i32
        %dma_start3A_22 = arith.constant 0 : i32
        %dma_start3A_23 = tpu.memref_slice %arg4[%dma_start3A_12, %dma_start3A_21, %dma_start3A_22] : memref<5x64x256xf32, #tpu.memory_space<vmem>> -> memref<1x64x256xf32, #tpu.memory_space<vmem>>
        %dma_start3A_24 = tpu.memref_squeeze %dma_start3A_23 : memref<1x64x256xf32, #tpu.memory_space<vmem>> -> memref<64x256xf32, #tpu.memory_space<vmem>>
        %dma_start3A_25 = arith.constant 0 : i32
        %dma_start3A_26 = arith.constant 0 : i32
        %dma_start3A_27 = tpu.memref_slice %arg2[%add3A_9, %dma_start3A, %dma_start3A_25, %dma_start3A_26] : memref<300x5x64x256xf32, #tpu.memory_space<hbm>> -> memref<1x1x64x256xf32, #tpu.memory_space<hbm>>
        %dma_start3A_28 = tpu.memref_squeeze %dma_start3A_27 : memref<1x1x64x256xf32, #tpu.memory_space<hbm>> -> memref<64x256xf32, #tpu.memory_space<hbm>>
        tpu.enqueue_dma source(%dma_start3A_28 : memref<64x256xf32, #tpu.memory_space<hbm>>) target(%dma_start3A_24 : memref<64x256xf32, #tpu.memory_space<vmem>>) target_semaphore(%arg5 : memref<!tpu.dma_semaphore, #tpu.memory_space<semaphore_mem>>)
        %dma_start3A_29 = arith.constant 1 : i32
        %dma_start3A_30 = arith.constant 1 : i32
        %dma_start3A_31 = arith.constant 0 : i32
        %dma_start3A_32 = arith.constant 0 : i32
        %dma_start3A_33 = tpu.memref_slice %arg4[%dma_start3A_30, %dma_start3A_31, %dma_start3A_32] : memref<5x64x256xf32, #tpu.memory_space<vmem>> -> memref<1x64x256xf32, #tpu.memory_space<vmem>>
        %dma_start3A_34 = tpu.memref_squeeze %dma_start3A_33 : memref<1x64x256xf32, #tpu.memory_space<vmem>> -> memref<64x256xf32, #tpu.memory_space<vmem>>
        %dma_start3A_35 = arith.constant 0 : i32
        %dma_start3A_36 = arith.constant 0 : i32
        %dma_start3A_37 = tpu.memref_slice %arg2[%add3A_9, %dma_start3A_29, %dma_start3A_35, %dma_start3A_36] : memref<300x5x64x256xf32, #tpu.memory_space<hbm>> -> memref<1x1x64x256xf32, #tpu.memory_space<hbm>>
        %dma_start3A_38 = tpu.memref_squeeze %dma_start3A_37 : memref<1x1x64x256xf32, #tpu.memory_space<hbm>> -> memref<64x256xf32, #tpu.memory_space<hbm>>
        %dma_start3A_39 = arith.constant 0 : i32
        %dma_start3A_40 = arith.constant 0 : i32
        %dma_start3A_41 = tpu.memref_slice %arg4[%dma_start3A_30, %dma_start3A_39, %dma_start3A_40] : memref<5x64x256xf32, #tpu.memory_space<vmem>> -> memref<1x64x256xf32, #tpu.memory_space<vmem>>
        %dma_start3A_42 = tpu.memref_squeeze %dma_start3A_41 : memref<1x64x256xf32, #tpu.memory_space<vmem>> -> memref<64x256xf32, #tpu.memory_space<vmem>>
        %dma_start3A_43 = arith.constant 0 : i32
        %dma_start3A_44 = arith.constant 0 : i32
        %dma_start3A_45 = tpu.memref_slice %arg2[%add3A_9, %dma_start3A_29, %dma_start3A_43, %dma_start3A_44] : memref<300x5x64x256xf32, #tpu.memory_space<hbm>> -> memref<1x1x64x256xf32, #tpu.memory_space<hbm>>
        %dma_start3A_46 = tpu.memref_squeeze %dma_start3A_45 : memref<1x1x64x256xf32, #tpu.memory_space<hbm>> -> memref<64x256xf32, #tpu.memory_space<hbm>>
        tpu.enqueue_dma source(%dma_start3A_46 : memref<64x256xf32, #tpu.memory_space<hbm>>) target(%dma_start3A_42 : memref<64x256xf32, #tpu.memory_space<vmem>>) target_semaphore(%arg5 : memref<!tpu.dma_semaphore, #tpu.memory_space<semaphore_mem>>)
        %dma_start3A_47 = arith.constant 2 : i32
        %dma_start3A_48 = arith.constant 2 : i32
        %dma_start3A_49 = arith.constant 0 : i32
        %dma_start3A_50 = arith.constant 0 : i32
        %dma_start3A_51 = tpu.memref_slice %arg4[%dma_start3A_48, %dma_start3A_49, %dma_start3A_50] : memref<5x64x256xf32, #tpu.memory_space<vmem>> -> memref<1x64x256xf32, #tpu.memory_space<vmem>>
        %dma_start3A_52 = tpu.memref_squeeze %dma_start3A_51 : memref<1x64x256xf32, #tpu.memory_space<vmem>> -> memref<64x256xf32, #tpu.memory_space<vmem>>
        %dma_start3A_53 = arith.constant 0 : i32
        %dma_start3A_54 = arith.constant 0 : i32
        %dma_start3A_55 = tpu.memref_slice %arg2[%add3A_9, %dma_start3A_47, %dma_start3A_53, %dma_start3A_54] : memref<300x5x64x256xf32, #tpu.memory_space<hbm>> -> memref<1x1x64x256xf32, #tpu.memory_space<hbm>>
        %dma_start3A_56 = tpu.memref_squeeze %dma_start3A_55 : memref<1x1x64x256xf32, #tpu.memory_space<hbm>> -> memref<64x256xf32, #tpu.memory_space<hbm>>
        %dma_start3A_57 = arith.constant 0 : i32
        %dma_start3A_58 = arith.constant 0 : i32
        %dma_start3A_59 = tpu.memref_slice %arg4[%dma_start3A_48, %dma_start3A_57, %dma_start3A_58] : memref<5x64x256xf32, #tpu.memory_space<vmem>> -> memref<1x64x256xf32, #tpu.memory_space<vmem>>
        %dma_start3A_60 = tpu.memref_squeeze %dma_start3A_59 : memref<1x64x256xf32, #tpu.memory_space<vmem>> -> memref<64x256xf32, #tpu.memory_space<vmem>>
        %dma_start3A_61 = arith.constant 0 : i32
        %dma_start3A_62 = arith.constant 0 : i32
        %dma_start3A_63 = tpu.memref_slice %arg2[%add3A_9, %dma_start3A_47, %dma_start3A_61, %dma_start3A_62] : memref<300x5x64x256xf32, #tpu.memory_space<hbm>> -> memref<1x1x64x256xf32, #tpu.memory_space<hbm>>
        %dma_start3A_64 = tpu.memref_squeeze %dma_start3A_63 : memref<1x1x64x256xf32, #tpu.memory_space<hbm>> -> memref<64x256xf32, #tpu.memory_space<hbm>>
        tpu.enqueue_dma source(%dma_start3A_64 : memref<64x256xf32, #tpu.memory_space<hbm>>) target(%dma_start3A_60 : memref<64x256xf32, #tpu.memory_space<vmem>>) target_semaphore(%arg5 : memref<!tpu.dma_semaphore, #tpu.memory_space<semaphore_mem>>)
        %dma_start3A_65 = arith.constant 3 : i32
        %dma_start3A_66 = arith.constant 3 : i32
        %dma_start3A_67 = arith.constant 0 : i32
        %dma_start3A_68 = arith.constant 0 : i32
        %dma_start3A_69 = tpu.memref_slice %arg4[%dma_start3A_66, %dma_start3A_67, %dma_start3A_68] : memref<5x64x256xf32, #tpu.memory_space<vmem>> -> memref<1x64x256xf32, #tpu.memory_space<vmem>>
        %dma_start3A_70 = tpu.memref_squeeze %dma_start3A_69 : memref<1x64x256xf32, #tpu.memory_space<vmem>> -> memref<64x256xf32, #tpu.memory_space<vmem>>
        %dma_start3A_71 = arith.constant 0 : i32
        %dma_start3A_72 = arith.constant 0 : i32
        %dma_start3A_73 = tpu.memref_slice %arg2[%add3A_9, %dma_start3A_65, %dma_start3A_71, %dma_start3A_72] : memref<300x5x64x256xf32, #tpu.memory_space<hbm>> -> memref<1x1x64x256xf32, #tpu.memory_space<hbm>>
        %dma_start3A_74 = tpu.memref_squeeze %dma_start3A_73 : memref<1x1x64x256xf32, #tpu.memory_space<hbm>> -> memref<64x256xf32, #tpu.memory_space<hbm>>
        %dma_start3A_75 = arith.constant 0 : i32
        %dma_start3A_76 = arith.constant 0 : i32
        %dma_start3A_77 = tpu.memref_slice %arg4[%dma_start3A_66, %dma_start3A_75, %dma_start3A_76] : memref<5x64x256xf32, #tpu.memory_space<vmem>> -> memref<1x64x256xf32, #tpu.memory_space<vmem>>
        %dma_start3A_78 = tpu.memref_squeeze %dma_start3A_77 : memref<1x64x256xf32, #tpu.memory_space<vmem>> -> memref<64x256xf32, #tpu.memory_space<vmem>>
        %dma_start3A_79 = arith.constant 0 : i32
        %dma_start3A_80 = arith.constant 0 : i32
        %dma_start3A_81 = tpu.memref_slice %arg2[%add3A_9, %dma_start3A_65, %dma_start3A_79, %dma_start3A_80] : memref<300x5x64x256xf32, #tpu.memory_space<hbm>> -> memref<1x1x64x256xf32, #tpu.memory_space<hbm>>
        %dma_start3A_82 = tpu.memref_squeeze %dma_start3A_81 : memref<1x1x64x256xf32, #tpu.memory_space<hbm>> -> memref<64x256xf32, #tpu.memory_space<hbm>>
        tpu.enqueue_dma source(%dma_start3A_82 : memref<64x256xf32, #tpu.memory_space<hbm>>) target(%dma_start3A_78 : memref<64x256xf32, #tpu.memory_space<vmem>>) target_semaphore(%arg5 : memref<!tpu.dma_semaphore, #tpu.memory_space<semaphore_mem>>)
        %dma_start3A_83 = arith.constant 4 : i32
        %dma_start3A_84 = arith.constant 4 : i32
        %dma_start3A_85 = arith.constant 0 : i32
        %dma_start3A_86 = arith.constant 0 : i32
        %dma_start3A_87 = tpu.memref_slice %arg4[%dma_start3A_84, %dma_start3A_85, %dma_start3A_86] : memref<5x64x256xf32, #tpu.memory_space<vmem>> -> memref<1x64x256xf32, #tpu.memory_space<vmem>>
        %dma_start3A_88 = tpu.memref_squeeze %dma_start3A_87 : memref<1x64x256xf32, #tpu.memory_space<vmem>> -> memref<64x256xf32, #tpu.memory_space<vmem>>
        %dma_start3A_89 = arith.constant 0 : i32
        %dma_start3A_90 = arith.constant 0 : i32
        %dma_start3A_91 = tpu.memref_slice %arg2[%add3A_9, %dma_start3A_83, %dma_start3A_89, %dma_start3A_90] : memref<300x5x64x256xf32, #tpu.memory_space<hbm>> -> memref<1x1x64x256xf32, #tpu.memory_space<hbm>>
        %dma_start3A_92 = tpu.memref_squeeze %dma_start3A_91 : memref<1x1x64x256xf32, #tpu.memory_space<hbm>> -> memref<64x256xf32, #tpu.memory_space<hbm>>
        %dma_start3A_93 = arith.constant 0 : i32
        %dma_start3A_94 = arith.constant 0 : i32
        %dma_start3A_95 = tpu.memref_slice %arg4[%dma_start3A_84, %dma_start3A_93, %dma_start3A_94] : memref<5x64x256xf32, #tpu.memory_space<vmem>> -> memref<1x64x256xf32, #tpu.memory_space<vmem>>
        %dma_start3A_96 = tpu.memref_squeeze %dma_start3A_95 : memref<1x64x256xf32, #tpu.memory_space<vmem>> -> memref<64x256xf32, #tpu.memory_space<vmem>>
        %dma_start3A_97 = arith.constant 0 : i32
        %dma_start3A_98 = arith.constant 0 : i32
        %dma_start3A_99 = tpu.memref_slice %arg2[%add3A_9, %dma_start3A_83, %dma_start3A_97, %dma_start3A_98] : memref<300x5x64x256xf32, #tpu.memory_space<hbm>> -> memref<1x1x64x256xf32, #tpu.memory_space<hbm>>
        %dma_start3A_100 = tpu.memref_squeeze %dma_start3A_99 : memref<1x1x64x256xf32, #tpu.memory_space<hbm>> -> memref<64x256xf32, #tpu.memory_space<hbm>>
        tpu.enqueue_dma source(%dma_start3A_100 : memref<64x256xf32, #tpu.memory_space<hbm>>) target(%dma_start3A_96 : memref<64x256xf32, #tpu.memory_space<vmem>>) target_semaphore(%arg5 : memref<!tpu.dma_semaphore, #tpu.memory_space<semaphore_mem>>)
        %dma_wait3A = arith.constant 0 : i32
        %dma_wait3A_101 = arith.constant 0 : i32
        %dma_wait3A_102 = arith.constant 0 : i32
        %dma_wait3A_103 = arith.constant 0 : i32
        %dma_wait3A_104 = tpu.memref_slice %arg4[%dma_wait3A_101, %dma_wait3A_102, %dma_wait3A_103] : memref<5x64x256xf32, #tpu.memory_space<vmem>> -> memref<1x64x256xf32, #tpu.memory_space<vmem>>
        %dma_wait3A_105 = tpu.memref_squeeze %dma_wait3A_104 : memref<1x64x256xf32, #tpu.memory_space<vmem>> -> memref<64x256xf32, #tpu.memory_space<vmem>>
        %dma_wait3A_106 = arith.constant 0 : i32
        %dma_wait3A_107 = arith.constant 0 : i32
        %dma_wait3A_108 = tpu.memref_slice %arg2[%add3A_9, %dma_wait3A, %dma_wait3A_106, %dma_wait3A_107] : memref<300x5x64x256xf32, #tpu.memory_space<hbm>> -> memref<1x1x64x256xf32, #tpu.memory_space<hbm>>
        %dma_wait3A_109 = tpu.memref_squeeze %dma_wait3A_108 : memref<1x1x64x256xf32, #tpu.memory_space<hbm>> -> memref<64x256xf32, #tpu.memory_space<hbm>>
        %dma_wait3A_110 = arith.constant 0 : i32
        %dma_wait3A_111 = arith.constant 0 : i32
        %dma_wait3A_112 = tpu.memref_slice %arg4[%dma_wait3A_101, %dma_wait3A_110, %dma_wait3A_111] : memref<5x64x256xf32, #tpu.memory_space<vmem>> -> memref<1x64x256xf32, #tpu.memory_space<vmem>>
        %dma_wait3A_113 = tpu.memref_squeeze %dma_wait3A_112 : memref<1x64x256xf32, #tpu.memory_space<vmem>> -> memref<64x256xf32, #tpu.memory_space<vmem>>
        %dma_wait3A_114 = arith.constant 0 : i32
        %dma_wait3A_115 = arith.constant 0 : i32
        %dma_wait3A_116 = tpu.memref_slice %arg2[%add3A_9, %dma_wait3A, %dma_wait3A_114, %dma_wait3A_115] : memref<300x5x64x256xf32, #tpu.memory_space<hbm>> -> memref<1x1x64x256xf32, #tpu.memory_space<hbm>>
        %dma_wait3A_117 = tpu.memref_squeeze %dma_wait3A_116 : memref<1x1x64x256xf32, #tpu.memory_space<hbm>> -> memref<64x256xf32, #tpu.memory_space<hbm>>
        tpu.wait_dma2 semaphore(%arg5 : memref<!tpu.dma_semaphore, #tpu.memory_space<semaphore_mem>>) src(%dma_wait3A_117 : memref<64x256xf32, #tpu.memory_space<hbm>>) dst(%dma_wait3A_113 : memref<64x256xf32, #tpu.memory_space<vmem>>)
        %run_scoped3A = arith.constant 0 : i32
        %run_scoped3A_118 = arith.constant 0 : i32
        "tpu.region"() ({
          %run_scoped3A_241 = tpu.sem_alloc : memref<!tpu.dma_semaphore, #tpu.memory_space<semaphore_mem>>
          %dma_start3A_242 = arith.constant 0 : i32
          %dma_start3A_243 = arith.constant 0 : i32
          %dma_start3A_244 = tpu.memref_slice %arg4[%run_scoped3A, %dma_start3A_242, %dma_start3A_243] : memref<5x64x256xf32, #tpu.memory_space<vmem>> -> memref<1x64x256xf32, #tpu.memory_space<vmem>>
          %dma_start3A_245 = tpu.memref_squeeze %dma_start3A_244 : memref<1x64x256xf32, #tpu.memory_space<vmem>> -> memref<64x256xf32, #tpu.memory_space<vmem>>
          %dma_start3A_246 = arith.constant 0 : i32
          %dma_start3A_247 = arith.constant 0 : i32
          %dma_start3A_248 = tpu.memref_slice %arg3[%add3A_9, %run_scoped3A_118, %dma_start3A_246, %dma_start3A_247] : memref<300x26x64x256xf32, #tpu.memory_space<hbm>> -> memref<1x1x64x256xf32, #tpu.memory_space<hbm>>
          %dma_start3A_249 = tpu.memref_squeeze %dma_start3A_248 : memref<1x1x64x256xf32, #tpu.memory_space<hbm>> -> memref<64x256xf32, #tpu.memory_space<hbm>>
          %dma_start3A_250 = arith.constant 0 : i32
          %dma_start3A_251 = arith.constant 0 : i32
          %dma_start3A_252 = tpu.memref_slice %arg3[%add3A_9, %run_scoped3A_118, %dma_start3A_250, %dma_start3A_251] : memref<300x26x64x256xf32, #tpu.memory_space<hbm>> -> memref<1x1x64x256xf32, #tpu.memory_space<hbm>>
          %dma_start3A_253 = tpu.memref_squeeze %dma_start3A_252 : memref<1x1x64x256xf32, #tpu.memory_space<hbm>> -> memref<64x256xf32, #tpu.memory_space<hbm>>
          %dma_start3A_254 = arith.constant 0 : i32
          %dma_start3A_255 = arith.constant 0 : i32
          %dma_start3A_256 = tpu.memref_slice %arg4[%run_scoped3A, %dma_start3A_254, %dma_start3A_255] : memref<5x64x256xf32, #tpu.memory_space<vmem>> -> memref<1x64x256xf32, #tpu.memory_space<vmem>>
          %dma_start3A_257 = tpu.memref_squeeze %dma_start3A_256 : memref<1x64x256xf32, #tpu.memory_space<vmem>> -> memref<64x256xf32, #tpu.memory_space<vmem>>
          tpu.enqueue_dma source(%dma_start3A_257 : memref<64x256xf32, #tpu.memory_space<vmem>>) target(%dma_start3A_253 : memref<64x256xf32, #tpu.memory_space<hbm>>) target_semaphore(%run_scoped3A_241 : memref<!tpu.dma_semaphore, #tpu.memory_space<semaphore_mem>>)
          %dma_wait3A_258 = arith.constant 0 : i32
          %dma_wait3A_259 = arith.constant 0 : i32
          %dma_wait3A_260 = tpu.memref_slice %arg4[%run_scoped3A, %dma_wait3A_258, %dma_wait3A_259] : memref<5x64x256xf32, #tpu.memory_space<vmem>> -> memref<1x64x256xf32, #tpu.memory_space<vmem>>
          %dma_wait3A_261 = tpu.memref_squeeze %dma_wait3A_260 : memref<1x64x256xf32, #tpu.memory_space<vmem>> -> memref<64x256xf32, #tpu.memory_space<vmem>>
          %dma_wait3A_262 = arith.constant 0 : i32
          %dma_wait3A_263 = arith.constant 0 : i32
          %dma_wait3A_264 = tpu.memref_slice %arg3[%add3A_9, %run_scoped3A_118, %dma_wait3A_262, %dma_wait3A_263] : memref<300x26x64x256xf32, #tpu.memory_space<hbm>> -> memref<1x1x64x256xf32, #tpu.memory_space<hbm>>
          %dma_wait3A_265 = tpu.memref_squeeze %dma_wait3A_264 : memref<1x1x64x256xf32, #tpu.memory_space<hbm>> -> memref<64x256xf32, #tpu.memory_space<hbm>>
          %dma_wait3A_266 = arith.constant 0 : i32
          %dma_wait3A_267 = arith.constant 0 : i32
          %dma_wait3A_268 = tpu.memref_slice %arg3[%add3A_9, %run_scoped3A_118, %dma_wait3A_266, %dma_wait3A_267] : memref<300x26x64x256xf32, #tpu.memory_space<hbm>> -> memref<1x1x64x256xf32, #tpu.memory_space<hbm>>
          %dma_wait3A_269 = tpu.memref_squeeze %dma_wait3A_268 : memref<1x1x64x256xf32, #tpu.memory_space<hbm>> -> memref<64x256xf32, #tpu.memory_space<hbm>>
          %dma_wait3A_270 = arith.constant 0 : i32
          %dma_wait3A_271 = arith.constant 0 : i32
          %dma_wait3A_272 = tpu.memref_slice %arg4[%run_scoped3A, %dma_wait3A_270, %dma_wait3A_271] : memref<5x64x256xf32, #tpu.memory_space<vmem>> -> memref<1x64x256xf32, #tpu.memory_space<vmem>>
          %dma_wait3A_273 = tpu.memref_squeeze %dma_wait3A_272 : memref<1x64x256xf32, #tpu.memory_space<vmem>> -> memref<64x256xf32, #tpu.memory_space<vmem>>
          tpu.wait_dma2 semaphore(%run_scoped3A_241 : memref<!tpu.dma_semaphore, #tpu.memory_space<semaphore_mem>>) src(%dma_wait3A_273 : memref<64x256xf32, #tpu.memory_space<vmem>>) dst(%dma_wait3A_269 : memref<64x256xf32, #tpu.memory_space<hbm>>)
          tpu.yield
        }) : () -> ()
        %run_scoped3A_119 = arith.constant 0 : i32
        %run_scoped3A_120 = arith.constant 1 : i32
        "tpu.region"() ({
          %run_scoped3A_241 = tpu.sem_alloc : memref<!tpu.dma_semaphore, #tpu.memory_space<semaphore_mem>>
          %dma_start3A_242 = arith.constant 0 : i32
          %dma_start3A_243 = arith.constant 0 : i32
          %dma_start3A_244 = tpu.memref_slice %arg4[%run_scoped3A_119, %dma_start3A_242, %dma_start3A_243] : memref<5x64x256xf32, #tpu.memory_space<vmem>> -> memref<1x64x256xf32, #tpu.memory_space<vmem>>
          %dma_start3A_245 = tpu.memref_squeeze %dma_start3A_244 : memref<1x64x256xf32, #tpu.memory_space<vmem>> -> memref<64x256xf32, #tpu.memory_space<vmem>>
          %dma_start3A_246 = arith.constant 0 : i32
          %dma_start3A_247 = arith.constant 0 : i32
          %dma_start3A_248 = tpu.memref_slice %arg3[%add3A_9, %run_scoped3A_120, %dma_start3A_246, %dma_start3A_247] : memref<300x26x64x256xf32, #tpu.memory_space<hbm>> -> memref<1x1x64x256xf32, #tpu.memory_space<hbm>>
          %dma_start3A_249 = tpu.memref_squeeze %dma_start3A_248 : memref<1x1x64x256xf32, #tpu.memory_space<hbm>> -> memref<64x256xf32, #tpu.memory_space<hbm>>
          %dma_start3A_250 = arith.constant 0 : i32
          %dma_start3A_251 = arith.constant 0 : i32
          %dma_start3A_252 = tpu.memref_slice %arg3[%add3A_9, %run_scoped3A_120, %dma_start3A_250, %dma_start3A_251] : memref<300x26x64x256xf32, #tpu.memory_space<hbm>> -> memref<1x1x64x256xf32, #tpu.memory_space<hbm>>
          %dma_start3A_253 = tpu.memref_squeeze %dma_start3A_252 : memref<1x1x64x256xf32, #tpu.memory_space<hbm>> -> memref<64x256xf32, #tpu.memory_space<hbm>>
          %dma_start3A_254 = arith.constant 0 : i32
          %dma_start3A_255 = arith.constant 0 : i32
          %dma_start3A_256 = tpu.memref_slice %arg4[%run_scoped3A_119, %dma_start3A_254, %dma_start3A_255] : memref<5x64x256xf32, #tpu.memory_space<vmem>> -> memref<1x64x256xf32, #tpu.memory_space<vmem>>
          %dma_start3A_257 = tpu.memref_squeeze %dma_start3A_256 : memref<1x64x256xf32, #tpu.memory_space<vmem>> -> memref<64x256xf32, #tpu.memory_space<vmem>>
          tpu.enqueue_dma source(%dma_start3A_257 : memref<64x256xf32, #tpu.memory_space<vmem>>) target(%dma_start3A_253 : memref<64x256xf32, #tpu.memory_space<hbm>>) target_semaphore(%run_scoped3A_241 : memref<!tpu.dma_semaphore, #tpu.memory_space<semaphore_mem>>)
          %dma_wait3A_258 = arith.constant 0 : i32
          %dma_wait3A_259 = arith.constant 0 : i32
          %dma_wait3A_260 = tpu.memref_slice %arg4[%run_scoped3A_119, %dma_wait3A_258, %dma_wait3A_259] : memref<5x64x256xf32, #tpu.memory_space<vmem>> -> memref<1x64x256xf32, #tpu.memory_space<vmem>>
          %dma_wait3A_261 = tpu.memref_squeeze %dma_wait3A_260 : memref<1x64x256xf32, #tpu.memory_space<vmem>> -> memref<64x256xf32, #tpu.memory_space<vmem>>
          %dma_wait3A_262 = arith.constant 0 : i32
          %dma_wait3A_263 = arith.constant 0 : i32
          %dma_wait3A_264 = tpu.memref_slice %arg3[%add3A_9, %run_scoped3A_120, %dma_wait3A_262, %dma_wait3A_263] : memref<300x26x64x256xf32, #tpu.memory_space<hbm>> -> memref<1x1x64x256xf32, #tpu.memory_space<hbm>>
          %dma_wait3A_265 = tpu.memref_squeeze %dma_wait3A_264 : memref<1x1x64x256xf32, #tpu.memory_space<hbm>> -> memref<64x256xf32, #tpu.memory_space<hbm>>
          %dma_wait3A_266 = arith.constant 0 : i32
          %dma_wait3A_267 = arith.constant 0 : i32
          %dma_wait3A_268 = tpu.memref_slice %arg3[%add3A_9, %run_scoped3A_120, %dma_wait3A_266, %dma_wait3A_267] : memref<300x26x64x256xf32, #tpu.memory_space<hbm>> -> memref<1x1x64x256xf32, #tpu.memory_space<hbm>>
          %dma_wait3A_269 = tpu.memref_squeeze %dma_wait3A_268 : memref<1x1x64x256xf32, #tpu.memory_space<hbm>> -> memref<64x256xf32, #tpu.memory_space<hbm>>
          %dma_wait3A_270 = arith.constant 0 : i32
          %dma_wait3A_271 = arith.constant 0 : i32
          %dma_wait3A_272 = tpu.memref_slice %arg4[%run_scoped3A_119, %dma_wait3A_270, %dma_wait3A_271] : memref<5x64x256xf32, #tpu.memory_space<vmem>> -> memref<1x64x256xf32, #tpu.memory_space<vmem>>
          %dma_wait3A_273 = tpu.memref_squeeze %dma_wait3A_272 : memref<1x64x256xf32, #tpu.memory_space<vmem>> -> memref<64x256xf32, #tpu.memory_space<vmem>>
          tpu.wait_dma2 semaphore(%run_scoped3A_241 : memref<!tpu.dma_semaphore, #tpu.memory_space<semaphore_mem>>) src(%dma_wait3A_273 : memref<64x256xf32, #tpu.memory_space<vmem>>) dst(%dma_wait3A_269 : memref<64x256xf32, #tpu.memory_space<hbm>>)
          tpu.yield
        }) : () -> ()
        %run_scoped3A_121 = arith.constant 0 : i32
        %run_scoped3A_122 = arith.constant 2 : i32
        "tpu.region"() ({
          %run_scoped3A_241 = tpu.sem_alloc : memref<!tpu.dma_semaphore, #tpu.memory_space<semaphore_mem>>
          %dma_start3A_242 = arith.constant 0 : i32
          %dma_start3A_243 = arith.constant 0 : i32
          %dma_start3A_244 = tpu.memref_slice %arg4[%run_scoped3A_121, %dma_start3A_242, %dma_start3A_243] : memref<5x64x256xf32, #tpu.memory_space<vmem>> -> memref<1x64x256xf32, #tpu.memory_space<vmem>>
          %dma_start3A_245 = tpu.memref_squeeze %dma_start3A_244 : memref<1x64x256xf32, #tpu.memory_space<vmem>> -> memref<64x256xf32, #tpu.memory_space<vmem>>
          %dma_start3A_246 = arith.constant 0 : i32
          %dma_start3A_247 = arith.constant 0 : i32
          %dma_start3A_248 = tpu.memref_slice %arg3[%add3A_9, %run_scoped3A_122, %dma_start3A_246, %dma_start3A_247] : memref<300x26x64x256xf32, #tpu.memory_space<hbm>> -> memref<1x1x64x256xf32, #tpu.memory_space<hbm>>
          %dma_start3A_249 = tpu.memref_squeeze %dma_start3A_248 : memref<1x1x64x256xf32, #tpu.memory_space<hbm>> -> memref<64x256xf32, #tpu.memory_space<hbm>>
          %dma_start3A_250 = arith.constant 0 : i32
          %dma_start3A_251 = arith.constant 0 : i32
          %dma_start3A_252 = tpu.memref_slice %arg3[%add3A_9, %run_scoped3A_122, %dma_start3A_250, %dma_start3A_251] : memref<300x26x64x256xf32, #tpu.memory_space<hbm>> -> memref<1x1x64x256xf32, #tpu.memory_space<hbm>>
          %dma_start3A_253 = tpu.memref_squeeze %dma_start3A_252 : memref<1x1x64x256xf32, #tpu.memory_space<hbm>> -> memref<64x256xf32, #tpu.memory_space<hbm>>
          %dma_start3A_254 = arith.constant 0 : i32
          %dma_start3A_255 = arith.constant 0 : i32
          %dma_start3A_256 = tpu.memref_slice %arg4[%run_scoped3A_121, %dma_start3A_254, %dma_start3A_255] : memref<5x64x256xf32, #tpu.memory_space<vmem>> -> memref<1x64x256xf32, #tpu.memory_space<vmem>>
          %dma_start3A_257 = tpu.memref_squeeze %dma_start3A_256 : memref<1x64x256xf32, #tpu.memory_space<vmem>> -> memref<64x256xf32, #tpu.memory_space<vmem>>
          tpu.enqueue_dma source(%dma_start3A_257 : memref<64x256xf32, #tpu.memory_space<vmem>>) target(%dma_start3A_253 : memref<64x256xf32, #tpu.memory_space<hbm>>) target_semaphore(%run_scoped3A_241 : memref<!tpu.dma_semaphore, #tpu.memory_space<semaphore_mem>>)
          %dma_wait3A_258 = arith.constant 0 : i32
          %dma_wait3A_259 = arith.constant 0 : i32
          %dma_wait3A_260 = tpu.memref_slice %arg4[%run_scoped3A_121, %dma_wait3A_258, %dma_wait3A_259] : memref<5x64x256xf32, #tpu.memory_space<vmem>> -> memref<1x64x256xf32, #tpu.memory_space<vmem>>
          %dma_wait3A_261 = tpu.memref_squeeze %dma_wait3A_260 : memref<1x64x256xf32, #tpu.memory_space<vmem>> -> memref<64x256xf32, #tpu.memory_space<vmem>>
          %dma_wait3A_262 = arith.constant 0 : i32
          %dma_wait3A_263 = arith.constant 0 : i32
          %dma_wait3A_264 = tpu.memref_slice %arg3[%add3A_9, %run_scoped3A_122, %dma_wait3A_262, %dma_wait3A_263] : memref<300x26x64x256xf32, #tpu.memory_space<hbm>> -> memref<1x1x64x256xf32, #tpu.memory_space<hbm>>
          %dma_wait3A_265 = tpu.memref_squeeze %dma_wait3A_264 : memref<1x1x64x256xf32, #tpu.memory_space<hbm>> -> memref<64x256xf32, #tpu.memory_space<hbm>>
          %dma_wait3A_266 = arith.constant 0 : i32
          %dma_wait3A_267 = arith.constant 0 : i32
          %dma_wait3A_268 = tpu.memref_slice %arg3[%add3A_9, %run_scoped3A_122, %dma_wait3A_266, %dma_wait3A_267] : memref<300x26x64x256xf32, #tpu.memory_space<hbm>> -> memref<1x1x64x256xf32, #tpu.memory_space<hbm>>
          %dma_wait3A_269 = tpu.memref_squeeze %dma_wait3A_268 : memref<1x1x64x256xf32, #tpu.memory_space<hbm>> -> memref<64x256xf32, #tpu.memory_space<hbm>>
          %dma_wait3A_270 = arith.constant 0 : i32
          %dma_wait3A_271 = arith.constant 0 : i32
          %dma_wait3A_272 = tpu.memref_slice %arg4[%run_scoped3A_121, %dma_wait3A_270, %dma_wait3A_271] : memref<5x64x256xf32, #tpu.memory_space<vmem>> -> memref<1x64x256xf32, #tpu.memory_space<vmem>>
          %dma_wait3A_273 = tpu.memref_squeeze %dma_wait3A_272 : memref<1x64x256xf32, #tpu.memory_space<vmem>> -> memref<64x256xf32, #tpu.memory_space<vmem>>
          tpu.wait_dma2 semaphore(%run_scoped3A_241 : memref<!tpu.dma_semaphore, #tpu.memory_space<semaphore_mem>>) src(%dma_wait3A_273 : memref<64x256xf32, #tpu.memory_space<vmem>>) dst(%dma_wait3A_269 : memref<64x256xf32, #tpu.memory_space<hbm>>)
          tpu.yield
        }) : () -> ()
        %run_scoped3A_123 = arith.constant 0 : i32
        %run_scoped3A_124 = arith.constant 3 : i32
        "tpu.region"() ({
          %run_scoped3A_241 = tpu.sem_alloc : memref<!tpu.dma_semaphore, #tpu.memory_space<semaphore_mem>>
          %dma_start3A_242 = arith.constant 0 : i32
          %dma_start3A_243 = arith.constant 0 : i32
          %dma_start3A_244 = tpu.memref_slice %arg4[%run_scoped3A_123, %dma_start3A_242, %dma_start3A_243] : memref<5x64x256xf32, #tpu.memory_space<vmem>> -> memref<1x64x256xf32, #tpu.memory_space<vmem>>
          %dma_start3A_245 = tpu.memref_squeeze %dma_start3A_244 : memref<1x64x256xf32, #tpu.memory_space<vmem>> -> memref<64x256xf32, #tpu.memory_space<vmem>>
          %dma_start3A_246 = arith.constant 0 : i32
          %dma_start3A_247 = arith.constant 0 : i32
          %dma_start3A_248 = tpu.memref_slice %arg3[%add3A_9, %run_scoped3A_124, %dma_start3A_246, %dma_start3A_247] : memref<300x26x64x256xf32, #tpu.memory_space<hbm>> -> memref<1x1x64x256xf32, #tpu.memory_space<hbm>>
          %dma_start3A_249 = tpu.memref_squeeze %dma_start3A_248 : memref<1x1x64x256xf32, #tpu.memory_space<hbm>> -> memref<64x256xf32, #tpu.memory_space<hbm>>
          %dma_start3A_250 = arith.constant 0 : i32
          %dma_start3A_251 = arith.constant 0 : i32
          %dma_start3A_252 = tpu.memref_slice %arg3[%add3A_9, %run_scoped3A_124, %dma_start3A_250, %dma_start3A_251] : memref<300x26x64x256xf32, #tpu.memory_space<hbm>> -> memref<1x1x64x256xf32, #tpu.memory_space<hbm>>
          %dma_start3A_253 = tpu.memref_squeeze %dma_start3A_252 : memref<1x1x64x256xf32, #tpu.memory_space<hbm>> -> memref<64x256xf32, #tpu.memory_space<hbm>>
          %dma_start3A_254 = arith.constant 0 : i32
          %dma_start3A_255 = arith.constant 0 : i32
          %dma_start3A_256 = tpu.memref_slice %arg4[%run_scoped3A_123, %dma_start3A_254, %dma_start3A_255] : memref<5x64x256xf32, #tpu.memory_space<vmem>> -> memref<1x64x256xf32, #tpu.memory_space<vmem>>
          %dma_start3A_257 = tpu.memref_squeeze %dma_start3A_256 : memref<1x64x256xf32, #tpu.memory_space<vmem>> -> memref<64x256xf32, #tpu.memory_space<vmem>>
          tpu.enqueue_dma source(%dma_start3A_257 : memref<64x256xf32, #tpu.memory_space<vmem>>) target(%dma_start3A_253 : memref<64x256xf32, #tpu.memory_space<hbm>>) target_semaphore(%run_scoped3A_241 : memref<!tpu.dma_semaphore, #tpu.memory_space<semaphore_mem>>)
          %dma_wait3A_258 = arith.constant 0 : i32
          %dma_wait3A_259 = arith.constant 0 : i32
          %dma_wait3A_260 = tpu.memref_slice %arg4[%run_scoped3A_123, %dma_wait3A_258, %dma_wait3A_259] : memref<5x64x256xf32, #tpu.memory_space<vmem>> -> memref<1x64x256xf32, #tpu.memory_space<vmem>>
          %dma_wait3A_261 = tpu.memref_squeeze %dma_wait3A_260 : memref<1x64x256xf32, #tpu.memory_space<vmem>> -> memref<64x256xf32, #tpu.memory_space<vmem>>
          %dma_wait3A_262 = arith.constant 0 : i32
          %dma_wait3A_263 = arith.constant 0 : i32
          %dma_wait3A_264 = tpu.memref_slice %arg3[%add3A_9, %run_scoped3A_124, %dma_wait3A_262, %dma_wait3A_263] : memref<300x26x64x256xf32, #tpu.memory_space<hbm>> -> memref<1x1x64x256xf32, #tpu.memory_space<hbm>>
          %dma_wait3A_265 = tpu.memref_squeeze %dma_wait3A_264 : memref<1x1x64x256xf32, #tpu.memory_space<hbm>> -> memref<64x256xf32, #tpu.memory_space<hbm>>
          %dma_wait3A_266 = arith.constant 0 : i32
          %dma_wait3A_267 = arith.constant 0 : i32
          %dma_wait3A_268 = tpu.memref_slice %arg3[%add3A_9, %run_scoped3A_124, %dma_wait3A_266, %dma_wait3A_267] : memref<300x26x64x256xf32, #tpu.memory_space<hbm>> -> memref<1x1x64x256xf32, #tpu.memory_space<hbm>>
          %dma_wait3A_269 = tpu.memref_squeeze %dma_wait3A_268 : memref<1x1x64x256xf32, #tpu.memory_space<hbm>> -> memref<64x256xf32, #tpu.memory_space<hbm>>
          %dma_wait3A_270 = arith.constant 0 : i32
          %dma_wait3A_271 = arith.constant 0 : i32
          %dma_wait3A_272 = tpu.memref_slice %arg4[%run_scoped3A_123, %dma_wait3A_270, %dma_wait3A_271] : memref<5x64x256xf32, #tpu.memory_space<vmem>> -> memref<1x64x256xf32, #tpu.memory_space<vmem>>
          %dma_wait3A_273 = tpu.memref_squeeze %dma_wait3A_272 : memref<1x64x256xf32, #tpu.memory_space<vmem>> -> memref<64x256xf32, #tpu.memory_space<vmem>>
          tpu.wait_dma2 semaphore(%run_scoped3A_241 : memref<!tpu.dma_semaphore, #tpu.memory_space<semaphore_mem>>) src(%dma_wait3A_273 : memref<64x256xf32, #tpu.memory_space<vmem>>) dst(%dma_wait3A_269 : memref<64x256xf32, #tpu.memory_space<hbm>>)
          tpu.yield
        }) : () -> ()
        %dma_wait3A_125 = arith.constant 1 : i32
        %dma_wait3A_126 = arith.constant 1 : i32
        %dma_wait3A_127 = arith.constant 0 : i32
        %dma_wait3A_128 = arith.constant 0 : i32
        %dma_wait3A_129 = tpu.memref_slice %arg4[%dma_wait3A_126, %dma_wait3A_127, %dma_wait3A_128] : memref<5x64x256xf32, #tpu.memory_space<vmem>> -> memref<1x64x256xf32, #tpu.memory_space<vmem>>
        %dma_wait3A_130 = tpu.memref_squeeze %dma_wait3A_129 : memref<1x64x256xf32, #tpu.memory_space<vmem>> -> memref<64x256xf32, #tpu.memory_space<vmem>>
        %dma_wait3A_131 = arith.constant 0 : i32
        %dma_wait3A_132 = arith.constant 0 : i32
        %dma_wait3A_133 = tpu.memref_slice %arg2[%add3A_9, %dma_wait3A_125, %dma_wait3A_131, %dma_wait3A_132] : memref<300x5x64x256xf32, #tpu.memory_space<hbm>> -> memref<1x1x64x256xf32, #tpu.memory_space<hbm>>
        %dma_wait3A_134 = tpu.memref_squeeze %dma_wait3A_133 : memref<1x1x64x256xf32, #tpu.memory_space<hbm>> -> memref<64x256xf32, #tpu.memory_space<hbm>>
        %dma_wait3A_135 = arith.constant 0 : i32
        %dma_wait3A_136 = arith.constant 0 : i32
        %dma_wait3A_137 = tpu.memref_slice %arg4[%dma_wait3A_126, %dma_wait3A_135, %dma_wait3A_136] : memref<5x64x256xf32, #tpu.memory_space<vmem>> -> memref<1x64x256xf32, #tpu.memory_space<vmem>>
        %dma_wait3A_138 = tpu.memref_squeeze %dma_wait3A_137 : memref<1x64x256xf32, #tpu.memory_space<vmem>> -> memref<64x256xf32, #tpu.memory_space<vmem>>
        %dma_wait3A_139 = arith.constant 0 : i32
        %dma_wait3A_140 = arith.constant 0 : i32
        %dma_wait3A_141 = tpu.memref_slice %arg2[%add3A_9, %dma_wait3A_125, %dma_wait3A_139, %dma_wait3A_140] : memref<300x5x64x256xf32, #tpu.memory_space<hbm>> -> memref<1x1x64x256xf32, #tpu.memory_space<hbm>>
        %dma_wait3A_142 = tpu.memref_squeeze %dma_wait3A_141 : memref<1x1x64x256xf32, #tpu.memory_space<hbm>> -> memref<64x256xf32, #tpu.memory_space<hbm>>
        tpu.wait_dma2 semaphore(%arg5 : memref<!tpu.dma_semaphore, #tpu.memory_space<semaphore_mem>>) src(%dma_wait3A_142 : memref<64x256xf32, #tpu.memory_space<hbm>>) dst(%dma_wait3A_138 : memref<64x256xf32, #tpu.memory_space<vmem>>)
        %run_scoped3A_143 = arith.constant 1 : i32
        %run_scoped3A_144 = arith.constant 4 : i32
        "tpu.region"() ({
          %run_scoped3A_241 = tpu.sem_alloc : memref<!tpu.dma_semaphore, #tpu.memory_space<semaphore_mem>>
          %dma_start3A_242 = arith.constant 0 : i32
          %dma_start3A_243 = arith.constant 0 : i32
          %dma_start3A_244 = tpu.memref_slice %arg4[%run_scoped3A_143, %dma_start3A_242, %dma_start3A_243] : memref<5x64x256xf32, #tpu.memory_space<vmem>> -> memref<1x64x256xf32, #tpu.memory_space<vmem>>
          %dma_start3A_245 = tpu.memref_squeeze %dma_start3A_244 : memref<1x64x256xf32, #tpu.memory_space<vmem>> -> memref<64x256xf32, #tpu.memory_space<vmem>>
          %dma_start3A_246 = arith.constant 0 : i32
          %dma_start3A_247 = arith.constant 0 : i32
          %dma_start3A_248 = tpu.memref_slice %arg3[%add3A_9, %run_scoped3A_144, %dma_start3A_246, %dma_start3A_247] : memref<300x26x64x256xf32, #tpu.memory_space<hbm>> -> memref<1x1x64x256xf32, #tpu.memory_space<hbm>>
          %dma_start3A_249 = tpu.memref_squeeze %dma_start3A_248 : memref<1x1x64x256xf32, #tpu.memory_space<hbm>> -> memref<64x256xf32, #tpu.memory_space<hbm>>
          %dma_start3A_250 = arith.constant 0 : i32
          %dma_start3A_251 = arith.constant 0 : i32
          %dma_start3A_252 = tpu.memref_slice %arg3[%add3A_9, %run_scoped3A_144, %dma_start3A_250, %dma_start3A_251] : memref<300x26x64x256xf32, #tpu.memory_space<hbm>> -> memref<1x1x64x256xf32, #tpu.memory_space<hbm>>
          %dma_start3A_253 = tpu.memref_squeeze %dma_start3A_252 : memref<1x1x64x256xf32, #tpu.memory_space<hbm>> -> memref<64x256xf32, #tpu.memory_space<hbm>>
          %dma_start3A_254 = arith.constant 0 : i32
          %dma_start3A_255 = arith.constant 0 : i32
          %dma_start3A_256 = tpu.memref_slice %arg4[%run_scoped3A_143, %dma_start3A_254, %dma_start3A_255] : memref<5x64x256xf32, #tpu.memory_space<vmem>> -> memref<1x64x256xf32, #tpu.memory_space<vmem>>
          %dma_start3A_257 = tpu.memref_squeeze %dma_start3A_256 : memref<1x64x256xf32, #tpu.memory_space<vmem>> -> memref<64x256xf32, #tpu.memory_space<vmem>>
          tpu.enqueue_dma source(%dma_start3A_257 : memref<64x256xf32, #tpu.memory_space<vmem>>) target(%dma_start3A_253 : memref<64x256xf32, #tpu.memory_space<hbm>>) target_semaphore(%run_scoped3A_241 : memref<!tpu.dma_semaphore, #tpu.memory_space<semaphore_mem>>)
          %dma_wait3A_258 = arith.constant 0 : i32
          %dma_wait3A_259 = arith.constant 0 : i32
          %dma_wait3A_260 = tpu.memref_slice %arg4[%run_scoped3A_143, %dma_wait3A_258, %dma_wait3A_259] : memref<5x64x256xf32, #tpu.memory_space<vmem>> -> memref<1x64x256xf32, #tpu.memory_space<vmem>>
          %dma_wait3A_261 = tpu.memref_squeeze %dma_wait3A_260 : memref<1x64x256xf32, #tpu.memory_space<vmem>> -> memref<64x256xf32, #tpu.memory_space<vmem>>
          %dma_wait3A_262 = arith.constant 0 : i32
          %dma_wait3A_263 = arith.constant 0 : i32
          %dma_wait3A_264 = tpu.memref_slice %arg3[%add3A_9, %run_scoped3A_144, %dma_wait3A_262, %dma_wait3A_263] : memref<300x26x64x256xf32, #tpu.memory_space<hbm>> -> memref<1x1x64x256xf32, #tpu.memory_space<hbm>>
          %dma_wait3A_265 = tpu.memref_squeeze %dma_wait3A_264 : memref<1x1x64x256xf32, #tpu.memory_space<hbm>> -> memref<64x256xf32, #tpu.memory_space<hbm>>
          %dma_wait3A_266 = arith.constant 0 : i32
          %dma_wait3A_267 = arith.constant 0 : i32
          %dma_wait3A_268 = tpu.memref_slice %arg3[%add3A_9, %run_scoped3A_144, %dma_wait3A_266, %dma_wait3A_267] : memref<300x26x64x256xf32, #tpu.memory_space<hbm>> -> memref<1x1x64x256xf32, #tpu.memory_space<hbm>>
          %dma_wait3A_269 = tpu.memref_squeeze %dma_wait3A_268 : memref<1x1x64x256xf32, #tpu.memory_space<hbm>> -> memref<64x256xf32, #tpu.memory_space<hbm>>
          %dma_wait3A_270 = arith.constant 0 : i32
          %dma_wait3A_271 = arith.constant 0 : i32
          %dma_wait3A_272 = tpu.memref_slice %arg4[%run_scoped3A_143, %dma_wait3A_270, %dma_wait3A_271] : memref<5x64x256xf32, #tpu.memory_space<vmem>> -> memref<1x64x256xf32, #tpu.memory_space<vmem>>
          %dma_wait3A_273 = tpu.memref_squeeze %dma_wait3A_272 : memref<1x64x256xf32, #tpu.memory_space<vmem>> -> memref<64x256xf32, #tpu.memory_space<vmem>>
          tpu.wait_dma2 semaphore(%run_scoped3A_241 : memref<!tpu.dma_semaphore, #tpu.memory_space<semaphore_mem>>) src(%dma_wait3A_273 : memref<64x256xf32, #tpu.memory_space<vmem>>) dst(%dma_wait3A_269 : memref<64x256xf32, #tpu.memory_space<hbm>>)
          tpu.yield
        }) : () -> ()
        %run_scoped3A_145 = arith.constant 1 : i32
        %run_scoped3A_146 = arith.constant 5 : i32
        "tpu.region"() ({
          %run_scoped3A_241 = tpu.sem_alloc : memref<!tpu.dma_semaphore, #tpu.memory_space<semaphore_mem>>
          %dma_start3A_242 = arith.constant 0 : i32
          %dma_start3A_243 = arith.constant 0 : i32
          %dma_start3A_244 = tpu.memref_slice %arg4[%run_scoped3A_145, %dma_start3A_242, %dma_start3A_243] : memref<5x64x256xf32, #tpu.memory_space<vmem>> -> memref<1x64x256xf32, #tpu.memory_space<vmem>>
          %dma_start3A_245 = tpu.memref_squeeze %dma_start3A_244 : memref<1x64x256xf32, #tpu.memory_space<vmem>> -> memref<64x256xf32, #tpu.memory_space<vmem>>
          %dma_start3A_246 = arith.constant 0 : i32
          %dma_start3A_247 = arith.constant 0 : i32
          %dma_start3A_248 = tpu.memref_slice %arg3[%add3A_9, %run_scoped3A_146, %dma_start3A_246, %dma_start3A_247] : memref<300x26x64x256xf32, #tpu.memory_space<hbm>> -> memref<1x1x64x256xf32, #tpu.memory_space<hbm>>
          %dma_start3A_249 = tpu.memref_squeeze %dma_start3A_248 : memref<1x1x64x256xf32, #tpu.memory_space<hbm>> -> memref<64x256xf32, #tpu.memory_space<hbm>>
          %dma_start3A_250 = arith.constant 0 : i32
          %dma_start3A_251 = arith.constant 0 : i32
          %dma_start3A_252 = tpu.memref_slice %arg3[%add3A_9, %run_scoped3A_146, %dma_start3A_250, %dma_start3A_251] : memref<300x26x64x256xf32, #tpu.memory_space<hbm>> -> memref<1x1x64x256xf32, #tpu.memory_space<hbm>>
          %dma_start3A_253 = tpu.memref_squeeze %dma_start3A_252 : memref<1x1x64x256xf32, #tpu.memory_space<hbm>> -> memref<64x256xf32, #tpu.memory_space<hbm>>
          %dma_start3A_254 = arith.constant 0 : i32
          %dma_start3A_255 = arith.constant 0 : i32
          %dma_start3A_256 = tpu.memref_slice %arg4[%run_scoped3A_145, %dma_start3A_254, %dma_start3A_255] : memref<5x64x256xf32, #tpu.memory_space<vmem>> -> memref<1x64x256xf32, #tpu.memory_space<vmem>>
          %dma_start3A_257 = tpu.memref_squeeze %dma_start3A_256 : memref<1x64x256xf32, #tpu.memory_space<vmem>> -> memref<64x256xf32, #tpu.memory_space<vmem>>
          tpu.enqueue_dma source(%dma_start3A_257 : memref<64x256xf32, #tpu.memory_space<vmem>>) target(%dma_start3A_253 : memref<64x256xf32, #tpu.memory_space<hbm>>) target_semaphore(%run_scoped3A_241 : memref<!tpu.dma_semaphore, #tpu.memory_space<semaphore_mem>>)
          %dma_wait3A_258 = arith.constant 0 : i32
          %dma_wait3A_259 = arith.constant 0 : i32
          %dma_wait3A_260 = tpu.memref_slice %arg4[%run_scoped3A_145, %dma_wait3A_258, %dma_wait3A_259] : memref<5x64x256xf32, #tpu.memory_space<vmem>> -> memref<1x64x256xf32, #tpu.memory_space<vmem>>
          %dma_wait3A_261 = tpu.memref_squeeze %dma_wait3A_260 : memref<1x64x256xf32, #tpu.memory_space<vmem>> -> memref<64x256xf32, #tpu.memory_space<vmem>>
          %dma_wait3A_262 = arith.constant 0 : i32
          %dma_wait3A_263 = arith.constant 0 : i32
          %dma_wait3A_264 = tpu.memref_slice %arg3[%add3A_9, %run_scoped3A_146, %dma_wait3A_262, %dma_wait3A_263] : memref<300x26x64x256xf32, #tpu.memory_space<hbm>> -> memref<1x1x64x256xf32, #tpu.memory_space<hbm>>
          %dma_wait3A_265 = tpu.memref_squeeze %dma_wait3A_264 : memref<1x1x64x256xf32, #tpu.memory_space<hbm>> -> memref<64x256xf32, #tpu.memory_space<hbm>>
          %dma_wait3A_266 = arith.constant 0 : i32
          %dma_wait3A_267 = arith.constant 0 : i32
          %dma_wait3A_268 = tpu.memref_slice %arg3[%add3A_9, %run_scoped3A_146, %dma_wait3A_266, %dma_wait3A_267] : memref<300x26x64x256xf32, #tpu.memory_space<hbm>> -> memref<1x1x64x256xf32, #tpu.memory_space<hbm>>
          %dma_wait3A_269 = tpu.memref_squeeze %dma_wait3A_268 : memref<1x1x64x256xf32, #tpu.memory_space<hbm>> -> memref<64x256xf32, #tpu.memory_space<hbm>>
          %dma_wait3A_270 = arith.constant 0 : i32
          %dma_wait3A_271 = arith.constant 0 : i32
          %dma_wait3A_272 = tpu.memref_slice %arg4[%run_scoped3A_145, %dma_wait3A_270, %dma_wait3A_271] : memref<5x64x256xf32, #tpu.memory_space<vmem>> -> memref<1x64x256xf32, #tpu.memory_space<vmem>>
          %dma_wait3A_273 = tpu.memref_squeeze %dma_wait3A_272 : memref<1x64x256xf32, #tpu.memory_space<vmem>> -> memref<64x256xf32, #tpu.memory_space<vmem>>
          tpu.wait_dma2 semaphore(%run_scoped3A_241 : memref<!tpu.dma_semaphore, #tpu.memory_space<semaphore_mem>>) src(%dma_wait3A_273 : memref<64x256xf32, #tpu.memory_space<vmem>>) dst(%dma_wait3A_269 : memref<64x256xf32, #tpu.memory_space<hbm>>)
          tpu.yield
        }) : () -> ()
        %run_scoped3A_147 = arith.constant 1 : i32
        %run_scoped3A_148 = arith.constant 6 : i32
        "tpu.region"() ({
          %run_scoped3A_241 = tpu.sem_alloc : memref<!tpu.dma_semaphore, #tpu.memory_space<semaphore_mem>>
          %dma_start3A_242 = arith.constant 0 : i32
          %dma_start3A_243 = arith.constant 0 : i32
          %dma_start3A_244 = tpu.memref_slice %arg4[%run_scoped3A_147, %dma_start3A_242, %dma_start3A_243] : memref<5x64x256xf32, #tpu.memory_space<vmem>> -> memref<1x64x256xf32, #tpu.memory_space<vmem>>
          %dma_start3A_245 = tpu.memref_squeeze %dma_start3A_244 : memref<1x64x256xf32, #tpu.memory_space<vmem>> -> memref<64x256xf32, #tpu.memory_space<vmem>>
          %dma_start3A_246 = arith.constant 0 : i32
          %dma_start3A_247 = arith.constant 0 : i32
          %dma_start3A_248 = tpu.memref_slice %arg3[%add3A_9, %run_scoped3A_148, %dma_start3A_246, %dma_start3A_247] : memref<300x26x64x256xf32, #tpu.memory_space<hbm>> -> memref<1x1x64x256xf32, #tpu.memory_space<hbm>>
          %dma_start3A_249 = tpu.memref_squeeze %dma_start3A_248 : memref<1x1x64x256xf32, #tpu.memory_space<hbm>> -> memref<64x256xf32, #tpu.memory_space<hbm>>
          %dma_start3A_250 = arith.constant 0 : i32
          %dma_start3A_251 = arith.constant 0 : i32
          %dma_start3A_252 = tpu.memref_slice %arg3[%add3A_9, %run_scoped3A_148, %dma_start3A_250, %dma_start3A_251] : memref<300x26x64x256xf32, #tpu.memory_space<hbm>> -> memref<1x1x64x256xf32, #tpu.memory_space<hbm>>
          %dma_start3A_253 = tpu.memref_squeeze %dma_start3A_252 : memref<1x1x64x256xf32, #tpu.memory_space<hbm>> -> memref<64x256xf32, #tpu.memory_space<hbm>>
          %dma_start3A_254 = arith.constant 0 : i32
          %dma_start3A_255 = arith.constant 0 : i32
          %dma_start3A_256 = tpu.memref_slice %arg4[%run_scoped3A_147, %dma_start3A_254, %dma_start3A_255] : memref<5x64x256xf32, #tpu.memory_space<vmem>> -> memref<1x64x256xf32, #tpu.memory_space<vmem>>
          %dma_start3A_257 = tpu.memref_squeeze %dma_start3A_256 : memref<1x64x256xf32, #tpu.memory_space<vmem>> -> memref<64x256xf32, #tpu.memory_space<vmem>>
          tpu.enqueue_dma source(%dma_start3A_257 : memref<64x256xf32, #tpu.memory_space<vmem>>) target(%dma_start3A_253 : memref<64x256xf32, #tpu.memory_space<hbm>>) target_semaphore(%run_scoped3A_241 : memref<!tpu.dma_semaphore, #tpu.memory_space<semaphore_mem>>)
          %dma_wait3A_258 = arith.constant 0 : i32
          %dma_wait3A_259 = arith.constant 0 : i32
          %dma_wait3A_260 = tpu.memref_slice %arg4[%run_scoped3A_147, %dma_wait3A_258, %dma_wait3A_259] : memref<5x64x256xf32, #tpu.memory_space<vmem>> -> memref<1x64x256xf32, #tpu.memory_space<vmem>>
          %dma_wait3A_261 = tpu.memref_squeeze %dma_wait3A_260 : memref<1x64x256xf32, #tpu.memory_space<vmem>> -> memref<64x256xf32, #tpu.memory_space<vmem>>
          %dma_wait3A_262 = arith.constant 0 : i32
          %dma_wait3A_263 = arith.constant 0 : i32
          %dma_wait3A_264 = tpu.memref_slice %arg3[%add3A_9, %run_scoped3A_148, %dma_wait3A_262, %dma_wait3A_263] : memref<300x26x64x256xf32, #tpu.memory_space<hbm>> -> memref<1x1x64x256xf32, #tpu.memory_space<hbm>>
          %dma_wait3A_265 = tpu.memref_squeeze %dma_wait3A_264 : memref<1x1x64x256xf32, #tpu.memory_space<hbm>> -> memref<64x256xf32, #tpu.memory_space<hbm>>
          %dma_wait3A_266 = arith.constant 0 : i32
          %dma_wait3A_267 = arith.constant 0 : i32
          %dma_wait3A_268 = tpu.memref_slice %arg3[%add3A_9, %run_scoped3A_148, %dma_wait3A_266, %dma_wait3A_267] : memref<300x26x64x256xf32, #tpu.memory_space<hbm>> -> memref<1x1x64x256xf32, #tpu.memory_space<hbm>>
          %dma_wait3A_269 = tpu.memref_squeeze %dma_wait3A_268 : memref<1x1x64x256xf32, #tpu.memory_space<hbm>> -> memref<64x256xf32, #tpu.memory_space<hbm>>
          %dma_wait3A_270 = arith.constant 0 : i32
          %dma_wait3A_271 = arith.constant 0 : i32
          %dma_wait3A_272 = tpu.memref_slice %arg4[%run_scoped3A_147, %dma_wait3A_270, %dma_wait3A_271] : memref<5x64x256xf32, #tpu.memory_space<vmem>> -> memref<1x64x256xf32, #tpu.memory_space<vmem>>
          %dma_wait3A_273 = tpu.memref_squeeze %dma_wait3A_272 : memref<1x64x256xf32, #tpu.memory_space<vmem>> -> memref<64x256xf32, #tpu.memory_space<vmem>>
          tpu.wait_dma2 semaphore(%run_scoped3A_241 : memref<!tpu.dma_semaphore, #tpu.memory_space<semaphore_mem>>) src(%dma_wait3A_273 : memref<64x256xf32, #tpu.memory_space<vmem>>) dst(%dma_wait3A_269 : memref<64x256xf32, #tpu.memory_space<hbm>>)
          tpu.yield
        }) : () -> ()
        %dma_wait3A_149 = arith.constant 2 : i32
        %dma_wait3A_150 = arith.constant 2 : i32
        %dma_wait3A_151 = arith.constant 0 : i32
        %dma_wait3A_152 = arith.constant 0 : i32
        %dma_wait3A_153 = tpu.memref_slice %arg4[%dma_wait3A_150, %dma_wait3A_151, %dma_wait3A_152] : memref<5x64x256xf32, #tpu.memory_space<vmem>> -> memref<1x64x256xf32, #tpu.memory_space<vmem>>
        %dma_wait3A_154 = tpu.memref_squeeze %dma_wait3A_153 : memref<1x64x256xf32, #tpu.memory_space<vmem>> -> memref<64x256xf32, #tpu.memory_space<vmem>>
        %dma_wait3A_155 = arith.constant 0 : i32
        %dma_wait3A_156 = arith.constant 0 : i32
        %dma_wait3A_157 = tpu.memref_slice %arg2[%add3A_9, %dma_wait3A_149, %dma_wait3A_155, %dma_wait3A_156] : memref<300x5x64x256xf32, #tpu.memory_space<hbm>> -> memref<1x1x64x256xf32, #tpu.memory_space<hbm>>
        %dma_wait3A_158 = tpu.memref_squeeze %dma_wait3A_157 : memref<1x1x64x256xf32, #tpu.memory_space<hbm>> -> memref<64x256xf32, #tpu.memory_space<hbm>>
        %dma_wait3A_159 = arith.constant 0 : i32
        %dma_wait3A_160 = arith.constant 0 : i32
        %dma_wait3A_161 = tpu.memref_slice %arg4[%dma_wait3A_150, %dma_wait3A_159, %dma_wait3A_160] : memref<5x64x256xf32, #tpu.memory_space<vmem>> -> memref<1x64x256xf32, #tpu.memory_space<vmem>>
        %dma_wait3A_162 = tpu.memref_squeeze %dma_wait3A_161 : memref<1x64x256xf32, #tpu.memory_space<vmem>> -> memref<64x256xf32, #tpu.memory_space<vmem>>
        %dma_wait3A_163 = arith.constant 0 : i32
        %dma_wait3A_164 = arith.constant 0 : i32
        %dma_wait3A_165 = tpu.memref_slice %arg2[%add3A_9, %dma_wait3A_149, %dma_wait3A_163, %dma_wait3A_164] : memref<300x5x64x256xf32, #tpu.memory_space<hbm>> -> memref<1x1x64x256xf32, #tpu.memory_space<hbm>>
        %dma_wait3A_166 = tpu.memref_squeeze %dma_wait3A_165 : memref<1x1x64x256xf32, #tpu.memory_space<hbm>> -> memref<64x256xf32, #tpu.memory_space<hbm>>
        tpu.wait_dma2 semaphore(%arg5 : memref<!tpu.dma_semaphore, #tpu.memory_space<semaphore_mem>>) src(%dma_wait3A_166 : memref<64x256xf32, #tpu.memory_space<hbm>>) dst(%dma_wait3A_162 : memref<64x256xf32, #tpu.memory_space<vmem>>)
        %run_scoped3A_167 = arith.constant 2 : i32
        %run_scoped3A_168 = arith.constant 7 : i32
        "tpu.region"() ({
          %run_scoped3A_241 = tpu.sem_alloc : memref<!tpu.dma_semaphore, #tpu.memory_space<semaphore_mem>>
          %dma_start3A_242 = arith.constant 0 : i32
          %dma_start3A_243 = arith.constant 0 : i32
          %dma_start3A_244 = tpu.memref_slice %arg4[%run_scoped3A_167, %dma_start3A_242, %dma_start3A_243] : memref<5x64x256xf32, #tpu.memory_space<vmem>> -> memref<1x64x256xf32, #tpu.memory_space<vmem>>
          %dma_start3A_245 = tpu.memref_squeeze %dma_start3A_244 : memref<1x64x256xf32, #tpu.memory_space<vmem>> -> memref<64x256xf32, #tpu.memory_space<vmem>>
          %dma_start3A_246 = arith.constant 0 : i32
          %dma_start3A_247 = arith.constant 0 : i32
          %dma_start3A_248 = tpu.memref_slice %arg3[%add3A_9, %run_scoped3A_168, %dma_start3A_246, %dma_start3A_247] : memref<300x26x64x256xf32, #tpu.memory_space<hbm>> -> memref<1x1x64x256xf32, #tpu.memory_space<hbm>>
          %dma_start3A_249 = tpu.memref_squeeze %dma_start3A_248 : memref<1x1x64x256xf32, #tpu.memory_space<hbm>> -> memref<64x256xf32, #tpu.memory_space<hbm>>
          %dma_start3A_250 = arith.constant 0 : i32
          %dma_start3A_251 = arith.constant 0 : i32
          %dma_start3A_252 = tpu.memref_slice %arg3[%add3A_9, %run_scoped3A_168, %dma_start3A_250, %dma_start3A_251] : memref<300x26x64x256xf32, #tpu.memory_space<hbm>> -> memref<1x1x64x256xf32, #tpu.memory_space<hbm>>
          %dma_start3A_253 = tpu.memref_squeeze %dma_start3A_252 : memref<1x1x64x256xf32, #tpu.memory_space<hbm>> -> memref<64x256xf32, #tpu.memory_space<hbm>>
          %dma_start3A_254 = arith.constant 0 : i32
          %dma_start3A_255 = arith.constant 0 : i32
          %dma_start3A_256 = tpu.memref_slice %arg4[%run_scoped3A_167, %dma_start3A_254, %dma_start3A_255] : memref<5x64x256xf32, #tpu.memory_space<vmem>> -> memref<1x64x256xf32, #tpu.memory_space<vmem>>
          %dma_start3A_257 = tpu.memref_squeeze %dma_start3A_256 : memref<1x64x256xf32, #tpu.memory_space<vmem>> -> memref<64x256xf32, #tpu.memory_space<vmem>>
          tpu.enqueue_dma source(%dma_start3A_257 : memref<64x256xf32, #tpu.memory_space<vmem>>) target(%dma_start3A_253 : memref<64x256xf32, #tpu.memory_space<hbm>>) target_semaphore(%run_scoped3A_241 : memref<!tpu.dma_semaphore, #tpu.memory_space<semaphore_mem>>)
          %dma_wait3A_258 = arith.constant 0 : i32
          %dma_wait3A_259 = arith.constant 0 : i32
          %dma_wait3A_260 = tpu.memref_slice %arg4[%run_scoped3A_167, %dma_wait3A_258, %dma_wait3A_259] : memref<5x64x256xf32, #tpu.memory_space<vmem>> -> memref<1x64x256xf32, #tpu.memory_space<vmem>>
          %dma_wait3A_261 = tpu.memref_squeeze %dma_wait3A_260 : memref<1x64x256xf32, #tpu.memory_space<vmem>> -> memref<64x256xf32, #tpu.memory_space<vmem>>
          %dma_wait3A_262 = arith.constant 0 : i32
          %dma_wait3A_263 = arith.constant 0 : i32
          %dma_wait3A_264 = tpu.memref_slice %arg3[%add3A_9, %run_scoped3A_168, %dma_wait3A_262, %dma_wait3A_263] : memref<300x26x64x256xf32, #tpu.memory_space<hbm>> -> memref<1x1x64x256xf32, #tpu.memory_space<hbm>>
          %dma_wait3A_265 = tpu.memref_squeeze %dma_wait3A_264 : memref<1x1x64x256xf32, #tpu.memory_space<hbm>> -> memref<64x256xf32, #tpu.memory_space<hbm>>
          %dma_wait3A_266 = arith.constant 0 : i32
          %dma_wait3A_267 = arith.constant 0 : i32
          %dma_wait3A_268 = tpu.memref_slice %arg3[%add3A_9, %run_scoped3A_168, %dma_wait3A_266, %dma_wait3A_267] : memref<300x26x64x256xf32, #tpu.memory_space<hbm>> -> memref<1x1x64x256xf32, #tpu.memory_space<hbm>>
          %dma_wait3A_269 = tpu.memref_squeeze %dma_wait3A_268 : memref<1x1x64x256xf32, #tpu.memory_space<hbm>> -> memref<64x256xf32, #tpu.memory_space<hbm>>
          %dma_wait3A_270 = arith.constant 0 : i32
          %dma_wait3A_271 = arith.constant 0 : i32
          %dma_wait3A_272 = tpu.memref_slice %arg4[%run_scoped3A_167, %dma_wait3A_270, %dma_wait3A_271] : memref<5x64x256xf32, #tpu.memory_space<vmem>> -> memref<1x64x256xf32, #tpu.memory_space<vmem>>
          %dma_wait3A_273 = tpu.memref_squeeze %dma_wait3A_272 : memref<1x64x256xf32, #tpu.memory_space<vmem>> -> memref<64x256xf32, #tpu.memory_space<vmem>>
          tpu.wait_dma2 semaphore(%run_scoped3A_241 : memref<!tpu.dma_semaphore, #tpu.memory_space<semaphore_mem>>) src(%dma_wait3A_273 : memref<64x256xf32, #tpu.memory_space<vmem>>) dst(%dma_wait3A_269 : memref<64x256xf32, #tpu.memory_space<hbm>>)
          tpu.yield
        }) : () -> ()
        %run_scoped3A_169 = arith.constant 2 : i32
        %run_scoped3A_170 = arith.constant 8 : i32
        "tpu.region"() ({
          %run_scoped3A_241 = tpu.sem_alloc : memref<!tpu.dma_semaphore, #tpu.memory_space<semaphore_mem>>
          %dma_start3A_242 = arith.constant 0 : i32
          %dma_start3A_243 = arith.constant 0 : i32
          %dma_start3A_244 = tpu.memref_slice %arg4[%run_scoped3A_169, %dma_start3A_242, %dma_start3A_243] : memref<5x64x256xf32, #tpu.memory_space<vmem>> -> memref<1x64x256xf32, #tpu.memory_space<vmem>>
          %dma_start3A_245 = tpu.memref_squeeze %dma_start3A_244 : memref<1x64x256xf32, #tpu.memory_space<vmem>> -> memref<64x256xf32, #tpu.memory_space<vmem>>
          %dma_start3A_246 = arith.constant 0 : i32
          %dma_start3A_247 = arith.constant 0 : i32
          %dma_start3A_248 = tpu.memref_slice %arg3[%add3A_9, %run_scoped3A_170, %dma_start3A_246, %dma_start3A_247] : memref<300x26x64x256xf32, #tpu.memory_space<hbm>> -> memref<1x1x64x256xf32, #tpu.memory_space<hbm>>
          %dma_start3A_249 = tpu.memref_squeeze %dma_start3A_248 : memref<1x1x64x256xf32, #tpu.memory_space<hbm>> -> memref<64x256xf32, #tpu.memory_space<hbm>>
          %dma_start3A_250 = arith.constant 0 : i32
          %dma_start3A_251 = arith.constant 0 : i32
          %dma_start3A_252 = tpu.memref_slice %arg3[%add3A_9, %run_scoped3A_170, %dma_start3A_250, %dma_start3A_251] : memref<300x26x64x256xf32, #tpu.memory_space<hbm>> -> memref<1x1x64x256xf32, #tpu.memory_space<hbm>>
          %dma_start3A_253 = tpu.memref_squeeze %dma_start3A_252 : memref<1x1x64x256xf32, #tpu.memory_space<hbm>> -> memref<64x256xf32, #tpu.memory_space<hbm>>
          %dma_start3A_254 = arith.constant 0 : i32
          %dma_start3A_255 = arith.constant 0 : i32
          %dma_start3A_256 = tpu.memref_slice %arg4[%run_scoped3A_169, %dma_start3A_254, %dma_start3A_255] : memref<5x64x256xf32, #tpu.memory_space<vmem>> -> memref<1x64x256xf32, #tpu.memory_space<vmem>>
          %dma_start3A_257 = tpu.memref_squeeze %dma_start3A_256 : memref<1x64x256xf32, #tpu.memory_space<vmem>> -> memref<64x256xf32, #tpu.memory_space<vmem>>
          tpu.enqueue_dma source(%dma_start3A_257 : memref<64x256xf32, #tpu.memory_space<vmem>>) target(%dma_start3A_253 : memref<64x256xf32, #tpu.memory_space<hbm>>) target_semaphore(%run_scoped3A_241 : memref<!tpu.dma_semaphore, #tpu.memory_space<semaphore_mem>>)
          %dma_wait3A_258 = arith.constant 0 : i32
          %dma_wait3A_259 = arith.constant 0 : i32
          %dma_wait3A_260 = tpu.memref_slice %arg4[%run_scoped3A_169, %dma_wait3A_258, %dma_wait3A_259] : memref<5x64x256xf32, #tpu.memory_space<vmem>> -> memref<1x64x256xf32, #tpu.memory_space<vmem>>
          %dma_wait3A_261 = tpu.memref_squeeze %dma_wait3A_260 : memref<1x64x256xf32, #tpu.memory_space<vmem>> -> memref<64x256xf32, #tpu.memory_space<vmem>>
          %dma_wait3A_262 = arith.constant 0 : i32
          %dma_wait3A_263 = arith.constant 0 : i32
          %dma_wait3A_264 = tpu.memref_slice %arg3[%add3A_9, %run_scoped3A_170, %dma_wait3A_262, %dma_wait3A_263] : memref<300x26x64x256xf32, #tpu.memory_space<hbm>> -> memref<1x1x64x256xf32, #tpu.memory_space<hbm>>
          %dma_wait3A_265 = tpu.memref_squeeze %dma_wait3A_264 : memref<1x1x64x256xf32, #tpu.memory_space<hbm>> -> memref<64x256xf32, #tpu.memory_space<hbm>>
          %dma_wait3A_266 = arith.constant 0 : i32
          %dma_wait3A_267 = arith.constant 0 : i32
          %dma_wait3A_268 = tpu.memref_slice %arg3[%add3A_9, %run_scoped3A_170, %dma_wait3A_266, %dma_wait3A_267] : memref<300x26x64x256xf32, #tpu.memory_space<hbm>> -> memref<1x1x64x256xf32, #tpu.memory_space<hbm>>
          %dma_wait3A_269 = tpu.memref_squeeze %dma_wait3A_268 : memref<1x1x64x256xf32, #tpu.memory_space<hbm>> -> memref<64x256xf32, #tpu.memory_space<hbm>>
          %dma_wait3A_270 = arith.constant 0 : i32
          %dma_wait3A_271 = arith.constant 0 : i32
          %dma_wait3A_272 = tpu.memref_slice %arg4[%run_scoped3A_169, %dma_wait3A_270, %dma_wait3A_271] : memref<5x64x256xf32, #tpu.memory_space<vmem>> -> memref<1x64x256xf32, #tpu.memory_space<vmem>>
          %dma_wait3A_273 = tpu.memref_squeeze %dma_wait3A_272 : memref<1x64x256xf32, #tpu.memory_space<vmem>> -> memref<64x256xf32, #tpu.memory_space<vmem>>
          tpu.wait_dma2 semaphore(%run_scoped3A_241 : memref<!tpu.dma_semaphore, #tpu.memory_space<semaphore_mem>>) src(%dma_wait3A_273 : memref<64x256xf32, #tpu.memory_space<vmem>>) dst(%dma_wait3A_269 : memref<64x256xf32, #tpu.memory_space<hbm>>)
          tpu.yield
        }) : () -> ()
        %run_scoped3A_171 = arith.constant 2 : i32
        %run_scoped3A_172 = arith.constant 9 : i32
        "tpu.region"() ({
          %run_scoped3A_241 = tpu.sem_alloc : memref<!tpu.dma_semaphore, #tpu.memory_space<semaphore_mem>>
          %dma_start3A_242 = arith.constant 0 : i32
          %dma_start3A_243 = arith.constant 0 : i32
          %dma_start3A_244 = tpu.memref_slice %arg4[%run_scoped3A_171, %dma_start3A_242, %dma_start3A_243] : memref<5x64x256xf32, #tpu.memory_space<vmem>> -> memref<1x64x256xf32, #tpu.memory_space<vmem>>
          %dma_start3A_245 = tpu.memref_squeeze %dma_start3A_244 : memref<1x64x256xf32, #tpu.memory_space<vmem>> -> memref<64x256xf32, #tpu.memory_space<vmem>>
          %dma_start3A_246 = arith.constant 0 : i32
          %dma_start3A_247 = arith.constant 0 : i32
          %dma_start3A_248 = tpu.memref_slice %arg3[%add3A_9, %run_scoped3A_172, %dma_start3A_246, %dma_start3A_247] : memref<300x26x64x256xf32, #tpu.memory_space<hbm>> -> memref<1x1x64x256xf32, #tpu.memory_space<hbm>>
          %dma_start3A_249 = tpu.memref_squeeze %dma_start3A_248 : memref<1x1x64x256xf32, #tpu.memory_space<hbm>> -> memref<64x256xf32, #tpu.memory_space<hbm>>
          %dma_start3A_250 = arith.constant 0 : i32
          %dma_start3A_251 = arith.constant 0 : i32
          %dma_start3A_252 = tpu.memref_slice %arg3[%add3A_9, %run_scoped3A_172, %dma_start3A_250, %dma_start3A_251] : memref<300x26x64x256xf32, #tpu.memory_space<hbm>> -> memref<1x1x64x256xf32, #tpu.memory_space<hbm>>
          %dma_start3A_253 = tpu.memref_squeeze %dma_start3A_252 : memref<1x1x64x256xf32, #tpu.memory_space<hbm>> -> memref<64x256xf32, #tpu.memory_space<hbm>>
          %dma_start3A_254 = arith.constant 0 : i32
          %dma_start3A_255 = arith.constant 0 : i32
          %dma_start3A_256 = tpu.memref_slice %arg4[%run_scoped3A_171, %dma_start3A_254, %dma_start3A_255] : memref<5x64x256xf32, #tpu.memory_space<vmem>> -> memref<1x64x256xf32, #tpu.memory_space<vmem>>
          %dma_start3A_257 = tpu.memref_squeeze %dma_start3A_256 : memref<1x64x256xf32, #tpu.memory_space<vmem>> -> memref<64x256xf32, #tpu.memory_space<vmem>>
          tpu.enqueue_dma source(%dma_start3A_257 : memref<64x256xf32, #tpu.memory_space<vmem>>) target(%dma_start3A_253 : memref<64x256xf32, #tpu.memory_space<hbm>>) target_semaphore(%run_scoped3A_241 : memref<!tpu.dma_semaphore, #tpu.memory_space<semaphore_mem>>)
          %dma_wait3A_258 = arith.constant 0 : i32
          %dma_wait3A_259 = arith.constant 0 : i32
          %dma_wait3A_260 = tpu.memref_slice %arg4[%run_scoped3A_171, %dma_wait3A_258, %dma_wait3A_259] : memref<5x64x256xf32, #tpu.memory_space<vmem>> -> memref<1x64x256xf32, #tpu.memory_space<vmem>>
          %dma_wait3A_261 = tpu.memref_squeeze %dma_wait3A_260 : memref<1x64x256xf32, #tpu.memory_space<vmem>> -> memref<64x256xf32, #tpu.memory_space<vmem>>
          %dma_wait3A_262 = arith.constant 0 : i32
          %dma_wait3A_263 = arith.constant 0 : i32
          %dma_wait3A_264 = tpu.memref_slice %arg3[%add3A_9, %run_scoped3A_172, %dma_wait3A_262, %dma_wait3A_263] : memref<300x26x64x256xf32, #tpu.memory_space<hbm>> -> memref<1x1x64x256xf32, #tpu.memory_space<hbm>>
          %dma_wait3A_265 = tpu.memref_squeeze %dma_wait3A_264 : memref<1x1x64x256xf32, #tpu.memory_space<hbm>> -> memref<64x256xf32, #tpu.memory_space<hbm>>
          %dma_wait3A_266 = arith.constant 0 : i32
          %dma_wait3A_267 = arith.constant 0 : i32
          %dma_wait3A_268 = tpu.memref_slice %arg3[%add3A_9, %run_scoped3A_172, %dma_wait3A_266, %dma_wait3A_267] : memref<300x26x64x256xf32, #tpu.memory_space<hbm>> -> memref<1x1x64x256xf32, #tpu.memory_space<hbm>>
          %dma_wait3A_269 = tpu.memref_squeeze %dma_wait3A_268 : memref<1x1x64x256xf32, #tpu.memory_space<hbm>> -> memref<64x256xf32, #tpu.memory_space<hbm>>
          %dma_wait3A_270 = arith.constant 0 : i32
          %dma_wait3A_271 = arith.constant 0 : i32
          %dma_wait3A_272 = tpu.memref_slice %arg4[%run_scoped3A_171, %dma_wait3A_270, %dma_wait3A_271] : memref<5x64x256xf32, #tpu.memory_space<vmem>> -> memref<1x64x256xf32, #tpu.memory_space<vmem>>
          %dma_wait3A_273 = tpu.memref_squeeze %dma_wait3A_272 : memref<1x64x256xf32, #tpu.memory_space<vmem>> -> memref<64x256xf32, #tpu.memory_space<vmem>>
          tpu.wait_dma2 semaphore(%run_scoped3A_241 : memref<!tpu.dma_semaphore, #tpu.memory_space<semaphore_mem>>) src(%dma_wait3A_273 : memref<64x256xf32, #tpu.memory_space<vmem>>) dst(%dma_wait3A_269 : memref<64x256xf32, #tpu.memory_space<hbm>>)
          tpu.yield
        }) : () -> ()
        %run_scoped3A_173 = arith.constant 2 : i32
        %run_scoped3A_174 = arith.constant 10 : i32
        "tpu.region"() ({
          %run_scoped3A_241 = tpu.sem_alloc : memref<!tpu.dma_semaphore, #tpu.memory_space<semaphore_mem>>
          %dma_start3A_242 = arith.constant 0 : i32
          %dma_start3A_243 = arith.constant 0 : i32
          %dma_start3A_244 = tpu.memref_slice %arg4[%run_scoped3A_173, %dma_start3A_242, %dma_start3A_243] : memref<5x64x256xf32, #tpu.memory_space<vmem>> -> memref<1x64x256xf32, #tpu.memory_space<vmem>>
          %dma_start3A_245 = tpu.memref_squeeze %dma_start3A_244 : memref<1x64x256xf32, #tpu.memory_space<vmem>> -> memref<64x256xf32, #tpu.memory_space<vmem>>
          %dma_start3A_246 = arith.constant 0 : i32
          %dma_start3A_247 = arith.constant 0 : i32
          %dma_start3A_248 = tpu.memref_slice %arg3[%add3A_9, %run_scoped3A_174, %dma_start3A_246, %dma_start3A_247] : memref<300x26x64x256xf32, #tpu.memory_space<hbm>> -> memref<1x1x64x256xf32, #tpu.memory_space<hbm>>
          %dma_start3A_249 = tpu.memref_squeeze %dma_start3A_248 : memref<1x1x64x256xf32, #tpu.memory_space<hbm>> -> memref<64x256xf32, #tpu.memory_space<hbm>>
          %dma_start3A_250 = arith.constant 0 : i32
          %dma_start3A_251 = arith.constant 0 : i32
          %dma_start3A_252 = tpu.memref_slice %arg3[%add3A_9, %run_scoped3A_174, %dma_start3A_250, %dma_start3A_251] : memref<300x26x64x256xf32, #tpu.memory_space<hbm>> -> memref<1x1x64x256xf32, #tpu.memory_space<hbm>>
          %dma_start3A_253 = tpu.memref_squeeze %dma_start3A_252 : memref<1x1x64x256xf32, #tpu.memory_space<hbm>> -> memref<64x256xf32, #tpu.memory_space<hbm>>
          %dma_start3A_254 = arith.constant 0 : i32
          %dma_start3A_255 = arith.constant 0 : i32
          %dma_start3A_256 = tpu.memref_slice %arg4[%run_scoped3A_173, %dma_start3A_254, %dma_start3A_255] : memref<5x64x256xf32, #tpu.memory_space<vmem>> -> memref<1x64x256xf32, #tpu.memory_space<vmem>>
          %dma_start3A_257 = tpu.memref_squeeze %dma_start3A_256 : memref<1x64x256xf32, #tpu.memory_space<vmem>> -> memref<64x256xf32, #tpu.memory_space<vmem>>
          tpu.enqueue_dma source(%dma_start3A_257 : memref<64x256xf32, #tpu.memory_space<vmem>>) target(%dma_start3A_253 : memref<64x256xf32, #tpu.memory_space<hbm>>) target_semaphore(%run_scoped3A_241 : memref<!tpu.dma_semaphore, #tpu.memory_space<semaphore_mem>>)
          %dma_wait3A_258 = arith.constant 0 : i32
          %dma_wait3A_259 = arith.constant 0 : i32
          %dma_wait3A_260 = tpu.memref_slice %arg4[%run_scoped3A_173, %dma_wait3A_258, %dma_wait3A_259] : memref<5x64x256xf32, #tpu.memory_space<vmem>> -> memref<1x64x256xf32, #tpu.memory_space<vmem>>
          %dma_wait3A_261 = tpu.memref_squeeze %dma_wait3A_260 : memref<1x64x256xf32, #tpu.memory_space<vmem>> -> memref<64x256xf32, #tpu.memory_space<vmem>>
          %dma_wait3A_262 = arith.constant 0 : i32
          %dma_wait3A_263 = arith.constant 0 : i32
          %dma_wait3A_264 = tpu.memref_slice %arg3[%add3A_9, %run_scoped3A_174, %dma_wait3A_262, %dma_wait3A_263] : memref<300x26x64x256xf32, #tpu.memory_space<hbm>> -> memref<1x1x64x256xf32, #tpu.memory_space<hbm>>
          %dma_wait3A_265 = tpu.memref_squeeze %dma_wait3A_264 : memref<1x1x64x256xf32, #tpu.memory_space<hbm>> -> memref<64x256xf32, #tpu.memory_space<hbm>>
          %dma_wait3A_266 = arith.constant 0 : i32
          %dma_wait3A_267 = arith.constant 0 : i32
          %dma_wait3A_268 = tpu.memref_slice %arg3[%add3A_9, %run_scoped3A_174, %dma_wait3A_266, %dma_wait3A_267] : memref<300x26x64x256xf32, #tpu.memory_space<hbm>> -> memref<1x1x64x256xf32, #tpu.memory_space<hbm>>
          %dma_wait3A_269 = tpu.memref_squeeze %dma_wait3A_268 : memref<1x1x64x256xf32, #tpu.memory_space<hbm>> -> memref<64x256xf32, #tpu.memory_space<hbm>>
          %dma_wait3A_270 = arith.constant 0 : i32
          %dma_wait3A_271 = arith.constant 0 : i32
          %dma_wait3A_272 = tpu.memref_slice %arg4[%run_scoped3A_173, %dma_wait3A_270, %dma_wait3A_271] : memref<5x64x256xf32, #tpu.memory_space<vmem>> -> memref<1x64x256xf32, #tpu.memory_space<vmem>>
          %dma_wait3A_273 = tpu.memref_squeeze %dma_wait3A_272 : memref<1x64x256xf32, #tpu.memory_space<vmem>> -> memref<64x256xf32, #tpu.memory_space<vmem>>
          tpu.wait_dma2 semaphore(%run_scoped3A_241 : memref<!tpu.dma_semaphore, #tpu.memory_space<semaphore_mem>>) src(%dma_wait3A_273 : memref<64x256xf32, #tpu.memory_space<vmem>>) dst(%dma_wait3A_269 : memref<64x256xf32, #tpu.memory_space<hbm>>)
          tpu.yield
        }) : () -> ()
        %run_scoped3A_175 = arith.constant 2 : i32
        %run_scoped3A_176 = arith.constant 11 : i32
        "tpu.region"() ({
          %run_scoped3A_241 = tpu.sem_alloc : memref<!tpu.dma_semaphore, #tpu.memory_space<semaphore_mem>>
          %dma_start3A_242 = arith.constant 0 : i32
          %dma_start3A_243 = arith.constant 0 : i32
          %dma_start3A_244 = tpu.memref_slice %arg4[%run_scoped3A_175, %dma_start3A_242, %dma_start3A_243] : memref<5x64x256xf32, #tpu.memory_space<vmem>> -> memref<1x64x256xf32, #tpu.memory_space<vmem>>
          %dma_start3A_245 = tpu.memref_squeeze %dma_start3A_244 : memref<1x64x256xf32, #tpu.memory_space<vmem>> -> memref<64x256xf32, #tpu.memory_space<vmem>>
          %dma_start3A_246 = arith.constant 0 : i32
          %dma_start3A_247 = arith.constant 0 : i32
          %dma_start3A_248 = tpu.memref_slice %arg3[%add3A_9, %run_scoped3A_176, %dma_start3A_246, %dma_start3A_247] : memref<300x26x64x256xf32, #tpu.memory_space<hbm>> -> memref<1x1x64x256xf32, #tpu.memory_space<hbm>>
          %dma_start3A_249 = tpu.memref_squeeze %dma_start3A_248 : memref<1x1x64x256xf32, #tpu.memory_space<hbm>> -> memref<64x256xf32, #tpu.memory_space<hbm>>
          %dma_start3A_250 = arith.constant 0 : i32
          %dma_start3A_251 = arith.constant 0 : i32
          %dma_start3A_252 = tpu.memref_slice %arg3[%add3A_9, %run_scoped3A_176, %dma_start3A_250, %dma_start3A_251] : memref<300x26x64x256xf32, #tpu.memory_space<hbm>> -> memref<1x1x64x256xf32, #tpu.memory_space<hbm>>
          %dma_start3A_253 = tpu.memref_squeeze %dma_start3A_252 : memref<1x1x64x256xf32, #tpu.memory_space<hbm>> -> memref<64x256xf32, #tpu.memory_space<hbm>>
          %dma_start3A_254 = arith.constant 0 : i32
          %dma_start3A_255 = arith.constant 0 : i32
          %dma_start3A_256 = tpu.memref_slice %arg4[%run_scoped3A_175, %dma_start3A_254, %dma_start3A_255] : memref<5x64x256xf32, #tpu.memory_space<vmem>> -> memref<1x64x256xf32, #tpu.memory_space<vmem>>
          %dma_start3A_257 = tpu.memref_squeeze %dma_start3A_256 : memref<1x64x256xf32, #tpu.memory_space<vmem>> -> memref<64x256xf32, #tpu.memory_space<vmem>>
          tpu.enqueue_dma source(%dma_start3A_257 : memref<64x256xf32, #tpu.memory_space<vmem>>) target(%dma_start3A_253 : memref<64x256xf32, #tpu.memory_space<hbm>>) target_semaphore(%run_scoped3A_241 : memref<!tpu.dma_semaphore, #tpu.memory_space<semaphore_mem>>)
          %dma_wait3A_258 = arith.constant 0 : i32
          %dma_wait3A_259 = arith.constant 0 : i32
          %dma_wait3A_260 = tpu.memref_slice %arg4[%run_scoped3A_175, %dma_wait3A_258, %dma_wait3A_259] : memref<5x64x256xf32, #tpu.memory_space<vmem>> -> memref<1x64x256xf32, #tpu.memory_space<vmem>>
          %dma_wait3A_261 = tpu.memref_squeeze %dma_wait3A_260 : memref<1x64x256xf32, #tpu.memory_space<vmem>> -> memref<64x256xf32, #tpu.memory_space<vmem>>
          %dma_wait3A_262 = arith.constant 0 : i32
          %dma_wait3A_263 = arith.constant 0 : i32
          %dma_wait3A_264 = tpu.memref_slice %arg3[%add3A_9, %run_scoped3A_176, %dma_wait3A_262, %dma_wait3A_263] : memref<300x26x64x256xf32, #tpu.memory_space<hbm>> -> memref<1x1x64x256xf32, #tpu.memory_space<hbm>>
          %dma_wait3A_265 = tpu.memref_squeeze %dma_wait3A_264 : memref<1x1x64x256xf32, #tpu.memory_space<hbm>> -> memref<64x256xf32, #tpu.memory_space<hbm>>
          %dma_wait3A_266 = arith.constant 0 : i32
          %dma_wait3A_267 = arith.constant 0 : i32
          %dma_wait3A_268 = tpu.memref_slice %arg3[%add3A_9, %run_scoped3A_176, %dma_wait3A_266, %dma_wait3A_267] : memref<300x26x64x256xf32, #tpu.memory_space<hbm>> -> memref<1x1x64x256xf32, #tpu.memory_space<hbm>>
          %dma_wait3A_269 = tpu.memref_squeeze %dma_wait3A_268 : memref<1x1x64x256xf32, #tpu.memory_space<hbm>> -> memref<64x256xf32, #tpu.memory_space<hbm>>
          %dma_wait3A_270 = arith.constant 0 : i32
          %dma_wait3A_271 = arith.constant 0 : i32
          %dma_wait3A_272 = tpu.memref_slice %arg4[%run_scoped3A_175, %dma_wait3A_270, %dma_wait3A_271] : memref<5x64x256xf32, #tpu.memory_space<vmem>> -> memref<1x64x256xf32, #tpu.memory_space<vmem>>
          %dma_wait3A_273 = tpu.memref_squeeze %dma_wait3A_272 : memref<1x64x256xf32, #tpu.memory_space<vmem>> -> memref<64x256xf32, #tpu.memory_space<vmem>>
          tpu.wait_dma2 semaphore(%run_scoped3A_241 : memref<!tpu.dma_semaphore, #tpu.memory_space<semaphore_mem>>) src(%dma_wait3A_273 : memref<64x256xf32, #tpu.memory_space<vmem>>) dst(%dma_wait3A_269 : memref<64x256xf32, #tpu.memory_space<hbm>>)
          tpu.yield
        }) : () -> ()
        %run_scoped3A_177 = arith.constant 2 : i32
        %run_scoped3A_178 = arith.constant 12 : i32
        "tpu.region"() ({
          %run_scoped3A_241 = tpu.sem_alloc : memref<!tpu.dma_semaphore, #tpu.memory_space<semaphore_mem>>
          %dma_start3A_242 = arith.constant 0 : i32
          %dma_start3A_243 = arith.constant 0 : i32
          %dma_start3A_244 = tpu.memref_slice %arg4[%run_scoped3A_177, %dma_start3A_242, %dma_start3A_243] : memref<5x64x256xf32, #tpu.memory_space<vmem>> -> memref<1x64x256xf32, #tpu.memory_space<vmem>>
          %dma_start3A_245 = tpu.memref_squeeze %dma_start3A_244 : memref<1x64x256xf32, #tpu.memory_space<vmem>> -> memref<64x256xf32, #tpu.memory_space<vmem>>
          %dma_start3A_246 = arith.constant 0 : i32
          %dma_start3A_247 = arith.constant 0 : i32
          %dma_start3A_248 = tpu.memref_slice %arg3[%add3A_9, %run_scoped3A_178, %dma_start3A_246, %dma_start3A_247] : memref<300x26x64x256xf32, #tpu.memory_space<hbm>> -> memref<1x1x64x256xf32, #tpu.memory_space<hbm>>
          %dma_start3A_249 = tpu.memref_squeeze %dma_start3A_248 : memref<1x1x64x256xf32, #tpu.memory_space<hbm>> -> memref<64x256xf32, #tpu.memory_space<hbm>>
          %dma_start3A_250 = arith.constant 0 : i32
          %dma_start3A_251 = arith.constant 0 : i32
          %dma_start3A_252 = tpu.memref_slice %arg3[%add3A_9, %run_scoped3A_178, %dma_start3A_250, %dma_start3A_251] : memref<300x26x64x256xf32, #tpu.memory_space<hbm>> -> memref<1x1x64x256xf32, #tpu.memory_space<hbm>>
          %dma_start3A_253 = tpu.memref_squeeze %dma_start3A_252 : memref<1x1x64x256xf32, #tpu.memory_space<hbm>> -> memref<64x256xf32, #tpu.memory_space<hbm>>
          %dma_start3A_254 = arith.constant 0 : i32
          %dma_start3A_255 = arith.constant 0 : i32
          %dma_start3A_256 = tpu.memref_slice %arg4[%run_scoped3A_177, %dma_start3A_254, %dma_start3A_255] : memref<5x64x256xf32, #tpu.memory_space<vmem>> -> memref<1x64x256xf32, #tpu.memory_space<vmem>>
          %dma_start3A_257 = tpu.memref_squeeze %dma_start3A_256 : memref<1x64x256xf32, #tpu.memory_space<vmem>> -> memref<64x256xf32, #tpu.memory_space<vmem>>
          tpu.enqueue_dma source(%dma_start3A_257 : memref<64x256xf32, #tpu.memory_space<vmem>>) target(%dma_start3A_253 : memref<64x256xf32, #tpu.memory_space<hbm>>) target_semaphore(%run_scoped3A_241 : memref<!tpu.dma_semaphore, #tpu.memory_space<semaphore_mem>>)
          %dma_wait3A_258 = arith.constant 0 : i32
          %dma_wait3A_259 = arith.constant 0 : i32
          %dma_wait3A_260 = tpu.memref_slice %arg4[%run_scoped3A_177, %dma_wait3A_258, %dma_wait3A_259] : memref<5x64x256xf32, #tpu.memory_space<vmem>> -> memref<1x64x256xf32, #tpu.memory_space<vmem>>
          %dma_wait3A_261 = tpu.memref_squeeze %dma_wait3A_260 : memref<1x64x256xf32, #tpu.memory_space<vmem>> -> memref<64x256xf32, #tpu.memory_space<vmem>>
          %dma_wait3A_262 = arith.constant 0 : i32
          %dma_wait3A_263 = arith.constant 0 : i32
          %dma_wait3A_264 = tpu.memref_slice %arg3[%add3A_9, %run_scoped3A_178, %dma_wait3A_262, %dma_wait3A_263] : memref<300x26x64x256xf32, #tpu.memory_space<hbm>> -> memref<1x1x64x256xf32, #tpu.memory_space<hbm>>
          %dma_wait3A_265 = tpu.memref_squeeze %dma_wait3A_264 : memref<1x1x64x256xf32, #tpu.memory_space<hbm>> -> memref<64x256xf32, #tpu.memory_space<hbm>>
          %dma_wait3A_266 = arith.constant 0 : i32
          %dma_wait3A_267 = arith.constant 0 : i32
          %dma_wait3A_268 = tpu.memref_slice %arg3[%add3A_9, %run_scoped3A_178, %dma_wait3A_266, %dma_wait3A_267] : memref<300x26x64x256xf32, #tpu.memory_space<hbm>> -> memref<1x1x64x256xf32, #tpu.memory_space<hbm>>
          %dma_wait3A_269 = tpu.memref_squeeze %dma_wait3A_268 : memref<1x1x64x256xf32, #tpu.memory_space<hbm>> -> memref<64x256xf32, #tpu.memory_space<hbm>>
          %dma_wait3A_270 = arith.constant 0 : i32
          %dma_wait3A_271 = arith.constant 0 : i32
          %dma_wait3A_272 = tpu.memref_slice %arg4[%run_scoped3A_177, %dma_wait3A_270, %dma_wait3A_271] : memref<5x64x256xf32, #tpu.memory_space<vmem>> -> memref<1x64x256xf32, #tpu.memory_space<vmem>>
          %dma_wait3A_273 = tpu.memref_squeeze %dma_wait3A_272 : memref<1x64x256xf32, #tpu.memory_space<vmem>> -> memref<64x256xf32, #tpu.memory_space<vmem>>
          tpu.wait_dma2 semaphore(%run_scoped3A_241 : memref<!tpu.dma_semaphore, #tpu.memory_space<semaphore_mem>>) src(%dma_wait3A_273 : memref<64x256xf32, #tpu.memory_space<vmem>>) dst(%dma_wait3A_269 : memref<64x256xf32, #tpu.memory_space<hbm>>)
          tpu.yield
        }) : () -> ()
        %run_scoped3A_179 = arith.constant 2 : i32
        %run_scoped3A_180 = arith.constant 13 : i32
        "tpu.region"() ({
          %run_scoped3A_241 = tpu.sem_alloc : memref<!tpu.dma_semaphore, #tpu.memory_space<semaphore_mem>>
          %dma_start3A_242 = arith.constant 0 : i32
          %dma_start3A_243 = arith.constant 0 : i32
          %dma_start3A_244 = tpu.memref_slice %arg4[%run_scoped3A_179, %dma_start3A_242, %dma_start3A_243] : memref<5x64x256xf32, #tpu.memory_space<vmem>> -> memref<1x64x256xf32, #tpu.memory_space<vmem>>
          %dma_start3A_245 = tpu.memref_squeeze %dma_start3A_244 : memref<1x64x256xf32, #tpu.memory_space<vmem>> -> memref<64x256xf32, #tpu.memory_space<vmem>>
          %dma_start3A_246 = arith.constant 0 : i32
          %dma_start3A_247 = arith.constant 0 : i32
          %dma_start3A_248 = tpu.memref_slice %arg3[%add3A_9, %run_scoped3A_180, %dma_start3A_246, %dma_start3A_247] : memref<300x26x64x256xf32, #tpu.memory_space<hbm>> -> memref<1x1x64x256xf32, #tpu.memory_space<hbm>>
          %dma_start3A_249 = tpu.memref_squeeze %dma_start3A_248 : memref<1x1x64x256xf32, #tpu.memory_space<hbm>> -> memref<64x256xf32, #tpu.memory_space<hbm>>
          %dma_start3A_250 = arith.constant 0 : i32
          %dma_start3A_251 = arith.constant 0 : i32
          %dma_start3A_252 = tpu.memref_slice %arg3[%add3A_9, %run_scoped3A_180, %dma_start3A_250, %dma_start3A_251] : memref<300x26x64x256xf32, #tpu.memory_space<hbm>> -> memref<1x1x64x256xf32, #tpu.memory_space<hbm>>
          %dma_start3A_253 = tpu.memref_squeeze %dma_start3A_252 : memref<1x1x64x256xf32, #tpu.memory_space<hbm>> -> memref<64x256xf32, #tpu.memory_space<hbm>>
          %dma_start3A_254 = arith.constant 0 : i32
          %dma_start3A_255 = arith.constant 0 : i32
          %dma_start3A_256 = tpu.memref_slice %arg4[%run_scoped3A_179, %dma_start3A_254, %dma_start3A_255] : memref<5x64x256xf32, #tpu.memory_space<vmem>> -> memref<1x64x256xf32, #tpu.memory_space<vmem>>
          %dma_start3A_257 = tpu.memref_squeeze %dma_start3A_256 : memref<1x64x256xf32, #tpu.memory_space<vmem>> -> memref<64x256xf32, #tpu.memory_space<vmem>>
          tpu.enqueue_dma source(%dma_start3A_257 : memref<64x256xf32, #tpu.memory_space<vmem>>) target(%dma_start3A_253 : memref<64x256xf32, #tpu.memory_space<hbm>>) target_semaphore(%run_scoped3A_241 : memref<!tpu.dma_semaphore, #tpu.memory_space<semaphore_mem>>)
          %dma_wait3A_258 = arith.constant 0 : i32
          %dma_wait3A_259 = arith.constant 0 : i32
          %dma_wait3A_260 = tpu.memref_slice %arg4[%run_scoped3A_179, %dma_wait3A_258, %dma_wait3A_259] : memref<5x64x256xf32, #tpu.memory_space<vmem>> -> memref<1x64x256xf32, #tpu.memory_space<vmem>>
          %dma_wait3A_261 = tpu.memref_squeeze %dma_wait3A_260 : memref<1x64x256xf32, #tpu.memory_space<vmem>> -> memref<64x256xf32, #tpu.memory_space<vmem>>
          %dma_wait3A_262 = arith.constant 0 : i32
          %dma_wait3A_263 = arith.constant 0 : i32
          %dma_wait3A_264 = tpu.memref_slice %arg3[%add3A_9, %run_scoped3A_180, %dma_wait3A_262, %dma_wait3A_263] : memref<300x26x64x256xf32, #tpu.memory_space<hbm>> -> memref<1x1x64x256xf32, #tpu.memory_space<hbm>>
          %dma_wait3A_265 = tpu.memref_squeeze %dma_wait3A_264 : memref<1x1x64x256xf32, #tpu.memory_space<hbm>> -> memref<64x256xf32, #tpu.memory_space<hbm>>
          %dma_wait3A_266 = arith.constant 0 : i32
          %dma_wait3A_267 = arith.constant 0 : i32
          %dma_wait3A_268 = tpu.memref_slice %arg3[%add3A_9, %run_scoped3A_180, %dma_wait3A_266, %dma_wait3A_267] : memref<300x26x64x256xf32, #tpu.memory_space<hbm>> -> memref<1x1x64x256xf32, #tpu.memory_space<hbm>>
          %dma_wait3A_269 = tpu.memref_squeeze %dma_wait3A_268 : memref<1x1x64x256xf32, #tpu.memory_space<hbm>> -> memref<64x256xf32, #tpu.memory_space<hbm>>
          %dma_wait3A_270 = arith.constant 0 : i32
          %dma_wait3A_271 = arith.constant 0 : i32
          %dma_wait3A_272 = tpu.memref_slice %arg4[%run_scoped3A_179, %dma_wait3A_270, %dma_wait3A_271] : memref<5x64x256xf32, #tpu.memory_space<vmem>> -> memref<1x64x256xf32, #tpu.memory_space<vmem>>
          %dma_wait3A_273 = tpu.memref_squeeze %dma_wait3A_272 : memref<1x64x256xf32, #tpu.memory_space<vmem>> -> memref<64x256xf32, #tpu.memory_space<vmem>>
          tpu.wait_dma2 semaphore(%run_scoped3A_241 : memref<!tpu.dma_semaphore, #tpu.memory_space<semaphore_mem>>) src(%dma_wait3A_273 : memref<64x256xf32, #tpu.memory_space<vmem>>) dst(%dma_wait3A_269 : memref<64x256xf32, #tpu.memory_space<hbm>>)
          tpu.yield
        }) : () -> ()
        %dma_wait3A_181 = arith.constant 3 : i32
        %dma_wait3A_182 = arith.constant 3 : i32
        %dma_wait3A_183 = arith.constant 0 : i32
        %dma_wait3A_184 = arith.constant 0 : i32
        %dma_wait3A_185 = tpu.memref_slice %arg4[%dma_wait3A_182, %dma_wait3A_183, %dma_wait3A_184] : memref<5x64x256xf32, #tpu.memory_space<vmem>> -> memref<1x64x256xf32, #tpu.memory_space<vmem>>
        %dma_wait3A_186 = tpu.memref_squeeze %dma_wait3A_185 : memref<1x64x256xf32, #tpu.memory_space<vmem>> -> memref<64x256xf32, #tpu.memory_space<vmem>>
        %dma_wait3A_187 = arith.constant 0 : i32
        %dma_wait3A_188 = arith.constant 0 : i32
        %dma_wait3A_189 = tpu.memref_slice %arg2[%add3A_9, %dma_wait3A_181, %dma_wait3A_187, %dma_wait3A_188] : memref<300x5x64x256xf32, #tpu.memory_space<hbm>> -> memref<1x1x64x256xf32, #tpu.memory_space<hbm>>
        %dma_wait3A_190 = tpu.memref_squeeze %dma_wait3A_189 : memref<1x1x64x256xf32, #tpu.memory_space<hbm>> -> memref<64x256xf32, #tpu.memory_space<hbm>>
        %dma_wait3A_191 = arith.constant 0 : i32
        %dma_wait3A_192 = arith.constant 0 : i32
        %dma_wait3A_193 = tpu.memref_slice %arg4[%dma_wait3A_182, %dma_wait3A_191, %dma_wait3A_192] : memref<5x64x256xf32, #tpu.memory_space<vmem>> -> memref<1x64x256xf32, #tpu.memory_space<vmem>>
        %dma_wait3A_194 = tpu.memref_squeeze %dma_wait3A_193 : memref<1x64x256xf32, #tpu.memory_space<vmem>> -> memref<64x256xf32, #tpu.memory_space<vmem>>
        %dma_wait3A_195 = arith.constant 0 : i32
        %dma_wait3A_196 = arith.constant 0 : i32
        %dma_wait3A_197 = tpu.memref_slice %arg2[%add3A_9, %dma_wait3A_181, %dma_wait3A_195, %dma_wait3A_196] : memref<300x5x64x256xf32, #tpu.memory_space<hbm>> -> memref<1x1x64x256xf32, #tpu.memory_space<hbm>>
        %dma_wait3A_198 = tpu.memref_squeeze %dma_wait3A_197 : memref<1x1x64x256xf32, #tpu.memory_space<hbm>> -> memref<64x256xf32, #tpu.memory_space<hbm>>
        tpu.wait_dma2 semaphore(%arg5 : memref<!tpu.dma_semaphore, #tpu.memory_space<semaphore_mem>>) src(%dma_wait3A_198 : memref<64x256xf32, #tpu.memory_space<hbm>>) dst(%dma_wait3A_194 : memref<64x256xf32, #tpu.memory_space<vmem>>)
        %run_scoped3A_199 = arith.constant 3 : i32
        %run_scoped3A_200 = arith.constant 14 : i32
        "tpu.region"() ({
          %run_scoped3A_241 = tpu.sem_alloc : memref<!tpu.dma_semaphore, #tpu.memory_space<semaphore_mem>>
          %dma_start3A_242 = arith.constant 0 : i32
          %dma_start3A_243 = arith.constant 0 : i32
          %dma_start3A_244 = tpu.memref_slice %arg4[%run_scoped3A_199, %dma_start3A_242, %dma_start3A_243] : memref<5x64x256xf32, #tpu.memory_space<vmem>> -> memref<1x64x256xf32, #tpu.memory_space<vmem>>
          %dma_start3A_245 = tpu.memref_squeeze %dma_start3A_244 : memref<1x64x256xf32, #tpu.memory_space<vmem>> -> memref<64x256xf32, #tpu.memory_space<vmem>>
          %dma_start3A_246 = arith.constant 0 : i32
          %dma_start3A_247 = arith.constant 0 : i32
          %dma_start3A_248 = tpu.memref_slice %arg3[%add3A_9, %run_scoped3A_200, %dma_start3A_246, %dma_start3A_247] : memref<300x26x64x256xf32, #tpu.memory_space<hbm>> -> memref<1x1x64x256xf32, #tpu.memory_space<hbm>>
          %dma_start3A_249 = tpu.memref_squeeze %dma_start3A_248 : memref<1x1x64x256xf32, #tpu.memory_space<hbm>> -> memref<64x256xf32, #tpu.memory_space<hbm>>
          %dma_start3A_250 = arith.constant 0 : i32
          %dma_start3A_251 = arith.constant 0 : i32
          %dma_start3A_252 = tpu.memref_slice %arg3[%add3A_9, %run_scoped3A_200, %dma_start3A_250, %dma_start3A_251] : memref<300x26x64x256xf32, #tpu.memory_space<hbm>> -> memref<1x1x64x256xf32, #tpu.memory_space<hbm>>
          %dma_start3A_253 = tpu.memref_squeeze %dma_start3A_252 : memref<1x1x64x256xf32, #tpu.memory_space<hbm>> -> memref<64x256xf32, #tpu.memory_space<hbm>>
          %dma_start3A_254 = arith.constant 0 : i32
          %dma_start3A_255 = arith.constant 0 : i32
          %dma_start3A_256 = tpu.memref_slice %arg4[%run_scoped3A_199, %dma_start3A_254, %dma_start3A_255] : memref<5x64x256xf32, #tpu.memory_space<vmem>> -> memref<1x64x256xf32, #tpu.memory_space<vmem>>
          %dma_start3A_257 = tpu.memref_squeeze %dma_start3A_256 : memref<1x64x256xf32, #tpu.memory_space<vmem>> -> memref<64x256xf32, #tpu.memory_space<vmem>>
          tpu.enqueue_dma source(%dma_start3A_257 : memref<64x256xf32, #tpu.memory_space<vmem>>) target(%dma_start3A_253 : memref<64x256xf32, #tpu.memory_space<hbm>>) target_semaphore(%run_scoped3A_241 : memref<!tpu.dma_semaphore, #tpu.memory_space<semaphore_mem>>)
          %dma_wait3A_258 = arith.constant 0 : i32
          %dma_wait3A_259 = arith.constant 0 : i32
          %dma_wait3A_260 = tpu.memref_slice %arg4[%run_scoped3A_199, %dma_wait3A_258, %dma_wait3A_259] : memref<5x64x256xf32, #tpu.memory_space<vmem>> -> memref<1x64x256xf32, #tpu.memory_space<vmem>>
          %dma_wait3A_261 = tpu.memref_squeeze %dma_wait3A_260 : memref<1x64x256xf32, #tpu.memory_space<vmem>> -> memref<64x256xf32, #tpu.memory_space<vmem>>
          %dma_wait3A_262 = arith.constant 0 : i32
          %dma_wait3A_263 = arith.constant 0 : i32
          %dma_wait3A_264 = tpu.memref_slice %arg3[%add3A_9, %run_scoped3A_200, %dma_wait3A_262, %dma_wait3A_263] : memref<300x26x64x256xf32, #tpu.memory_space<hbm>> -> memref<1x1x64x256xf32, #tpu.memory_space<hbm>>
          %dma_wait3A_265 = tpu.memref_squeeze %dma_wait3A_264 : memref<1x1x64x256xf32, #tpu.memory_space<hbm>> -> memref<64x256xf32, #tpu.memory_space<hbm>>
          %dma_wait3A_266 = arith.constant 0 : i32
          %dma_wait3A_267 = arith.constant 0 : i32
          %dma_wait3A_268 = tpu.memref_slice %arg3[%add3A_9, %run_scoped3A_200, %dma_wait3A_266, %dma_wait3A_267] : memref<300x26x64x256xf32, #tpu.memory_space<hbm>> -> memref<1x1x64x256xf32, #tpu.memory_space<hbm>>
          %dma_wait3A_269 = tpu.memref_squeeze %dma_wait3A_268 : memref<1x1x64x256xf32, #tpu.memory_space<hbm>> -> memref<64x256xf32, #tpu.memory_space<hbm>>
          %dma_wait3A_270 = arith.constant 0 : i32
          %dma_wait3A_271 = arith.constant 0 : i32
          %dma_wait3A_272 = tpu.memref_slice %arg4[%run_scoped3A_199, %dma_wait3A_270, %dma_wait3A_271] : memref<5x64x256xf32, #tpu.memory_space<vmem>> -> memref<1x64x256xf32, #tpu.memory_space<vmem>>
          %dma_wait3A_273 = tpu.memref_squeeze %dma_wait3A_272 : memref<1x64x256xf32, #tpu.memory_space<vmem>> -> memref<64x256xf32, #tpu.memory_space<vmem>>
          tpu.wait_dma2 semaphore(%run_scoped3A_241 : memref<!tpu.dma_semaphore, #tpu.memory_space<semaphore_mem>>) src(%dma_wait3A_273 : memref<64x256xf32, #tpu.memory_space<vmem>>) dst(%dma_wait3A_269 : memref<64x256xf32, #tpu.memory_space<hbm>>)
          tpu.yield
        }) : () -> ()
        %run_scoped3A_201 = arith.constant 3 : i32
        %run_scoped3A_202 = arith.constant 15 : i32
        "tpu.region"() ({
          %run_scoped3A_241 = tpu.sem_alloc : memref<!tpu.dma_semaphore, #tpu.memory_space<semaphore_mem>>
          %dma_start3A_242 = arith.constant 0 : i32
          %dma_start3A_243 = arith.constant 0 : i32
          %dma_start3A_244 = tpu.memref_slice %arg4[%run_scoped3A_201, %dma_start3A_242, %dma_start3A_243] : memref<5x64x256xf32, #tpu.memory_space<vmem>> -> memref<1x64x256xf32, #tpu.memory_space<vmem>>
          %dma_start3A_245 = tpu.memref_squeeze %dma_start3A_244 : memref<1x64x256xf32, #tpu.memory_space<vmem>> -> memref<64x256xf32, #tpu.memory_space<vmem>>
          %dma_start3A_246 = arith.constant 0 : i32
          %dma_start3A_247 = arith.constant 0 : i32
          %dma_start3A_248 = tpu.memref_slice %arg3[%add3A_9, %run_scoped3A_202, %dma_start3A_246, %dma_start3A_247] : memref<300x26x64x256xf32, #tpu.memory_space<hbm>> -> memref<1x1x64x256xf32, #tpu.memory_space<hbm>>
          %dma_start3A_249 = tpu.memref_squeeze %dma_start3A_248 : memref<1x1x64x256xf32, #tpu.memory_space<hbm>> -> memref<64x256xf32, #tpu.memory_space<hbm>>
          %dma_start3A_250 = arith.constant 0 : i32
          %dma_start3A_251 = arith.constant 0 : i32
          %dma_start3A_252 = tpu.memref_slice %arg3[%add3A_9, %run_scoped3A_202, %dma_start3A_250, %dma_start3A_251] : memref<300x26x64x256xf32, #tpu.memory_space<hbm>> -> memref<1x1x64x256xf32, #tpu.memory_space<hbm>>
          %dma_start3A_253 = tpu.memref_squeeze %dma_start3A_252 : memref<1x1x64x256xf32, #tpu.memory_space<hbm>> -> memref<64x256xf32, #tpu.memory_space<hbm>>
          %dma_start3A_254 = arith.constant 0 : i32
          %dma_start3A_255 = arith.constant 0 : i32
          %dma_start3A_256 = tpu.memref_slice %arg4[%run_scoped3A_201, %dma_start3A_254, %dma_start3A_255] : memref<5x64x256xf32, #tpu.memory_space<vmem>> -> memref<1x64x256xf32, #tpu.memory_space<vmem>>
          %dma_start3A_257 = tpu.memref_squeeze %dma_start3A_256 : memref<1x64x256xf32, #tpu.memory_space<vmem>> -> memref<64x256xf32, #tpu.memory_space<vmem>>
          tpu.enqueue_dma source(%dma_start3A_257 : memref<64x256xf32, #tpu.memory_space<vmem>>) target(%dma_start3A_253 : memref<64x256xf32, #tpu.memory_space<hbm>>) target_semaphore(%run_scoped3A_241 : memref<!tpu.dma_semaphore, #tpu.memory_space<semaphore_mem>>)
          %dma_wait3A_258 = arith.constant 0 : i32
          %dma_wait3A_259 = arith.constant 0 : i32
          %dma_wait3A_260 = tpu.memref_slice %arg4[%run_scoped3A_201, %dma_wait3A_258, %dma_wait3A_259] : memref<5x64x256xf32, #tpu.memory_space<vmem>> -> memref<1x64x256xf32, #tpu.memory_space<vmem>>
          %dma_wait3A_261 = tpu.memref_squeeze %dma_wait3A_260 : memref<1x64x256xf32, #tpu.memory_space<vmem>> -> memref<64x256xf32, #tpu.memory_space<vmem>>
          %dma_wait3A_262 = arith.constant 0 : i32
          %dma_wait3A_263 = arith.constant 0 : i32
          %dma_wait3A_264 = tpu.memref_slice %arg3[%add3A_9, %run_scoped3A_202, %dma_wait3A_262, %dma_wait3A_263] : memref<300x26x64x256xf32, #tpu.memory_space<hbm>> -> memref<1x1x64x256xf32, #tpu.memory_space<hbm>>
          %dma_wait3A_265 = tpu.memref_squeeze %dma_wait3A_264 : memref<1x1x64x256xf32, #tpu.memory_space<hbm>> -> memref<64x256xf32, #tpu.memory_space<hbm>>
          %dma_wait3A_266 = arith.constant 0 : i32
          %dma_wait3A_267 = arith.constant 0 : i32
          %dma_wait3A_268 = tpu.memref_slice %arg3[%add3A_9, %run_scoped3A_202, %dma_wait3A_266, %dma_wait3A_267] : memref<300x26x64x256xf32, #tpu.memory_space<hbm>> -> memref<1x1x64x256xf32, #tpu.memory_space<hbm>>
          %dma_wait3A_269 = tpu.memref_squeeze %dma_wait3A_268 : memref<1x1x64x256xf32, #tpu.memory_space<hbm>> -> memref<64x256xf32, #tpu.memory_space<hbm>>
          %dma_wait3A_270 = arith.constant 0 : i32
          %dma_wait3A_271 = arith.constant 0 : i32
          %dma_wait3A_272 = tpu.memref_slice %arg4[%run_scoped3A_201, %dma_wait3A_270, %dma_wait3A_271] : memref<5x64x256xf32, #tpu.memory_space<vmem>> -> memref<1x64x256xf32, #tpu.memory_space<vmem>>
          %dma_wait3A_273 = tpu.memref_squeeze %dma_wait3A_272 : memref<1x64x256xf32, #tpu.memory_space<vmem>> -> memref<64x256xf32, #tpu.memory_space<vmem>>
          tpu.wait_dma2 semaphore(%run_scoped3A_241 : memref<!tpu.dma_semaphore, #tpu.memory_space<semaphore_mem>>) src(%dma_wait3A_273 : memref<64x256xf32, #tpu.memory_space<vmem>>) dst(%dma_wait3A_269 : memref<64x256xf32, #tpu.memory_space<hbm>>)
          tpu.yield
        }) : () -> ()
        %run_scoped3A_203 = arith.constant 3 : i32
        %run_scoped3A_204 = arith.constant 16 : i32
        "tpu.region"() ({
          %run_scoped3A_241 = tpu.sem_alloc : memref<!tpu.dma_semaphore, #tpu.memory_space<semaphore_mem>>
          %dma_start3A_242 = arith.constant 0 : i32
          %dma_start3A_243 = arith.constant 0 : i32
          %dma_start3A_244 = tpu.memref_slice %arg4[%run_scoped3A_203, %dma_start3A_242, %dma_start3A_243] : memref<5x64x256xf32, #tpu.memory_space<vmem>> -> memref<1x64x256xf32, #tpu.memory_space<vmem>>
          %dma_start3A_245 = tpu.memref_squeeze %dma_start3A_244 : memref<1x64x256xf32, #tpu.memory_space<vmem>> -> memref<64x256xf32, #tpu.memory_space<vmem>>
          %dma_start3A_246 = arith.constant 0 : i32
          %dma_start3A_247 = arith.constant 0 : i32
          %dma_start3A_248 = tpu.memref_slice %arg3[%add3A_9, %run_scoped3A_204, %dma_start3A_246, %dma_start3A_247] : memref<300x26x64x256xf32, #tpu.memory_space<hbm>> -> memref<1x1x64x256xf32, #tpu.memory_space<hbm>>
          %dma_start3A_249 = tpu.memref_squeeze %dma_start3A_248 : memref<1x1x64x256xf32, #tpu.memory_space<hbm>> -> memref<64x256xf32, #tpu.memory_space<hbm>>
          %dma_start3A_250 = arith.constant 0 : i32
          %dma_start3A_251 = arith.constant 0 : i32
          %dma_start3A_252 = tpu.memref_slice %arg3[%add3A_9, %run_scoped3A_204, %dma_start3A_250, %dma_start3A_251] : memref<300x26x64x256xf32, #tpu.memory_space<hbm>> -> memref<1x1x64x256xf32, #tpu.memory_space<hbm>>
          %dma_start3A_253 = tpu.memref_squeeze %dma_start3A_252 : memref<1x1x64x256xf32, #tpu.memory_space<hbm>> -> memref<64x256xf32, #tpu.memory_space<hbm>>
          %dma_start3A_254 = arith.constant 0 : i32
          %dma_start3A_255 = arith.constant 0 : i32
          %dma_start3A_256 = tpu.memref_slice %arg4[%run_scoped3A_203, %dma_start3A_254, %dma_start3A_255] : memref<5x64x256xf32, #tpu.memory_space<vmem>> -> memref<1x64x256xf32, #tpu.memory_space<vmem>>
          %dma_start3A_257 = tpu.memref_squeeze %dma_start3A_256 : memref<1x64x256xf32, #tpu.memory_space<vmem>> -> memref<64x256xf32, #tpu.memory_space<vmem>>
          tpu.enqueue_dma source(%dma_start3A_257 : memref<64x256xf32, #tpu.memory_space<vmem>>) target(%dma_start3A_253 : memref<64x256xf32, #tpu.memory_space<hbm>>) target_semaphore(%run_scoped3A_241 : memref<!tpu.dma_semaphore, #tpu.memory_space<semaphore_mem>>)
          %dma_wait3A_258 = arith.constant 0 : i32
          %dma_wait3A_259 = arith.constant 0 : i32
          %dma_wait3A_260 = tpu.memref_slice %arg4[%run_scoped3A_203, %dma_wait3A_258, %dma_wait3A_259] : memref<5x64x256xf32, #tpu.memory_space<vmem>> -> memref<1x64x256xf32, #tpu.memory_space<vmem>>
          %dma_wait3A_261 = tpu.memref_squeeze %dma_wait3A_260 : memref<1x64x256xf32, #tpu.memory_space<vmem>> -> memref<64x256xf32, #tpu.memory_space<vmem>>
          %dma_wait3A_262 = arith.constant 0 : i32
          %dma_wait3A_263 = arith.constant 0 : i32
          %dma_wait3A_264 = tpu.memref_slice %arg3[%add3A_9, %run_scoped3A_204, %dma_wait3A_262, %dma_wait3A_263] : memref<300x26x64x256xf32, #tpu.memory_space<hbm>> -> memref<1x1x64x256xf32, #tpu.memory_space<hbm>>
          %dma_wait3A_265 = tpu.memref_squeeze %dma_wait3A_264 : memref<1x1x64x256xf32, #tpu.memory_space<hbm>> -> memref<64x256xf32, #tpu.memory_space<hbm>>
          %dma_wait3A_266 = arith.constant 0 : i32
          %dma_wait3A_267 = arith.constant 0 : i32
          %dma_wait3A_268 = tpu.memref_slice %arg3[%add3A_9, %run_scoped3A_204, %dma_wait3A_266, %dma_wait3A_267] : memref<300x26x64x256xf32, #tpu.memory_space<hbm>> -> memref<1x1x64x256xf32, #tpu.memory_space<hbm>>
          %dma_wait3A_269 = tpu.memref_squeeze %dma_wait3A_268 : memref<1x1x64x256xf32, #tpu.memory_space<hbm>> -> memref<64x256xf32, #tpu.memory_space<hbm>>
          %dma_wait3A_270 = arith.constant 0 : i32
          %dma_wait3A_271 = arith.constant 0 : i32
          %dma_wait3A_272 = tpu.memref_slice %arg4[%run_scoped3A_203, %dma_wait3A_270, %dma_wait3A_271] : memref<5x64x256xf32, #tpu.memory_space<vmem>> -> memref<1x64x256xf32, #tpu.memory_space<vmem>>
          %dma_wait3A_273 = tpu.memref_squeeze %dma_wait3A_272 : memref<1x64x256xf32, #tpu.memory_space<vmem>> -> memref<64x256xf32, #tpu.memory_space<vmem>>
          tpu.wait_dma2 semaphore(%run_scoped3A_241 : memref<!tpu.dma_semaphore, #tpu.memory_space<semaphore_mem>>) src(%dma_wait3A_273 : memref<64x256xf32, #tpu.memory_space<vmem>>) dst(%dma_wait3A_269 : memref<64x256xf32, #tpu.memory_space<hbm>>)
          tpu.yield
        }) : () -> ()
        %run_scoped3A_205 = arith.constant 3 : i32
        %run_scoped3A_206 = arith.constant 17 : i32
        "tpu.region"() ({
          %run_scoped3A_241 = tpu.sem_alloc : memref<!tpu.dma_semaphore, #tpu.memory_space<semaphore_mem>>
          %dma_start3A_242 = arith.constant 0 : i32
          %dma_start3A_243 = arith.constant 0 : i32
          %dma_start3A_244 = tpu.memref_slice %arg4[%run_scoped3A_205, %dma_start3A_242, %dma_start3A_243] : memref<5x64x256xf32, #tpu.memory_space<vmem>> -> memref<1x64x256xf32, #tpu.memory_space<vmem>>
          %dma_start3A_245 = tpu.memref_squeeze %dma_start3A_244 : memref<1x64x256xf32, #tpu.memory_space<vmem>> -> memref<64x256xf32, #tpu.memory_space<vmem>>
          %dma_start3A_246 = arith.constant 0 : i32
          %dma_start3A_247 = arith.constant 0 : i32
          %dma_start3A_248 = tpu.memref_slice %arg3[%add3A_9, %run_scoped3A_206, %dma_start3A_246, %dma_start3A_247] : memref<300x26x64x256xf32, #tpu.memory_space<hbm>> -> memref<1x1x64x256xf32, #tpu.memory_space<hbm>>
          %dma_start3A_249 = tpu.memref_squeeze %dma_start3A_248 : memref<1x1x64x256xf32, #tpu.memory_space<hbm>> -> memref<64x256xf32, #tpu.memory_space<hbm>>
          %dma_start3A_250 = arith.constant 0 : i32
          %dma_start3A_251 = arith.constant 0 : i32
          %dma_start3A_252 = tpu.memref_slice %arg3[%add3A_9, %run_scoped3A_206, %dma_start3A_250, %dma_start3A_251] : memref<300x26x64x256xf32, #tpu.memory_space<hbm>> -> memref<1x1x64x256xf32, #tpu.memory_space<hbm>>
          %dma_start3A_253 = tpu.memref_squeeze %dma_start3A_252 : memref<1x1x64x256xf32, #tpu.memory_space<hbm>> -> memref<64x256xf32, #tpu.memory_space<hbm>>
          %dma_start3A_254 = arith.constant 0 : i32
          %dma_start3A_255 = arith.constant 0 : i32
          %dma_start3A_256 = tpu.memref_slice %arg4[%run_scoped3A_205, %dma_start3A_254, %dma_start3A_255] : memref<5x64x256xf32, #tpu.memory_space<vmem>> -> memref<1x64x256xf32, #tpu.memory_space<vmem>>
          %dma_start3A_257 = tpu.memref_squeeze %dma_start3A_256 : memref<1x64x256xf32, #tpu.memory_space<vmem>> -> memref<64x256xf32, #tpu.memory_space<vmem>>
          tpu.enqueue_dma source(%dma_start3A_257 : memref<64x256xf32, #tpu.memory_space<vmem>>) target(%dma_start3A_253 : memref<64x256xf32, #tpu.memory_space<hbm>>) target_semaphore(%run_scoped3A_241 : memref<!tpu.dma_semaphore, #tpu.memory_space<semaphore_mem>>)
          %dma_wait3A_258 = arith.constant 0 : i32
          %dma_wait3A_259 = arith.constant 0 : i32
          %dma_wait3A_260 = tpu.memref_slice %arg4[%run_scoped3A_205, %dma_wait3A_258, %dma_wait3A_259] : memref<5x64x256xf32, #tpu.memory_space<vmem>> -> memref<1x64x256xf32, #tpu.memory_space<vmem>>
          %dma_wait3A_261 = tpu.memref_squeeze %dma_wait3A_260 : memref<1x64x256xf32, #tpu.memory_space<vmem>> -> memref<64x256xf32, #tpu.memory_space<vmem>>
          %dma_wait3A_262 = arith.constant 0 : i32
          %dma_wait3A_263 = arith.constant 0 : i32
          %dma_wait3A_264 = tpu.memref_slice %arg3[%add3A_9, %run_scoped3A_206, %dma_wait3A_262, %dma_wait3A_263] : memref<300x26x64x256xf32, #tpu.memory_space<hbm>> -> memref<1x1x64x256xf32, #tpu.memory_space<hbm>>
          %dma_wait3A_265 = tpu.memref_squeeze %dma_wait3A_264 : memref<1x1x64x256xf32, #tpu.memory_space<hbm>> -> memref<64x256xf32, #tpu.memory_space<hbm>>
          %dma_wait3A_266 = arith.constant 0 : i32
          %dma_wait3A_267 = arith.constant 0 : i32
          %dma_wait3A_268 = tpu.memref_slice %arg3[%add3A_9, %run_scoped3A_206, %dma_wait3A_266, %dma_wait3A_267] : memref<300x26x64x256xf32, #tpu.memory_space<hbm>> -> memref<1x1x64x256xf32, #tpu.memory_space<hbm>>
          %dma_wait3A_269 = tpu.memref_squeeze %dma_wait3A_268 : memref<1x1x64x256xf32, #tpu.memory_space<hbm>> -> memref<64x256xf32, #tpu.memory_space<hbm>>
          %dma_wait3A_270 = arith.constant 0 : i32
          %dma_wait3A_271 = arith.constant 0 : i32
          %dma_wait3A_272 = tpu.memref_slice %arg4[%run_scoped3A_205, %dma_wait3A_270, %dma_wait3A_271] : memref<5x64x256xf32, #tpu.memory_space<vmem>> -> memref<1x64x256xf32, #tpu.memory_space<vmem>>
          %dma_wait3A_273 = tpu.memref_squeeze %dma_wait3A_272 : memref<1x64x256xf32, #tpu.memory_space<vmem>> -> memref<64x256xf32, #tpu.memory_space<vmem>>
          tpu.wait_dma2 semaphore(%run_scoped3A_241 : memref<!tpu.dma_semaphore, #tpu.memory_space<semaphore_mem>>) src(%dma_wait3A_273 : memref<64x256xf32, #tpu.memory_space<vmem>>) dst(%dma_wait3A_269 : memref<64x256xf32, #tpu.memory_space<hbm>>)
          tpu.yield
        }) : () -> ()
        %run_scoped3A_207 = arith.constant 3 : i32
        %run_scoped3A_208 = arith.constant 18 : i32
        "tpu.region"() ({
          %run_scoped3A_241 = tpu.sem_alloc : memref<!tpu.dma_semaphore, #tpu.memory_space<semaphore_mem>>
          %dma_start3A_242 = arith.constant 0 : i32
          %dma_start3A_243 = arith.constant 0 : i32
          %dma_start3A_244 = tpu.memref_slice %arg4[%run_scoped3A_207, %dma_start3A_242, %dma_start3A_243] : memref<5x64x256xf32, #tpu.memory_space<vmem>> -> memref<1x64x256xf32, #tpu.memory_space<vmem>>
          %dma_start3A_245 = tpu.memref_squeeze %dma_start3A_244 : memref<1x64x256xf32, #tpu.memory_space<vmem>> -> memref<64x256xf32, #tpu.memory_space<vmem>>
          %dma_start3A_246 = arith.constant 0 : i32
          %dma_start3A_247 = arith.constant 0 : i32
          %dma_start3A_248 = tpu.memref_slice %arg3[%add3A_9, %run_scoped3A_208, %dma_start3A_246, %dma_start3A_247] : memref<300x26x64x256xf32, #tpu.memory_space<hbm>> -> memref<1x1x64x256xf32, #tpu.memory_space<hbm>>
          %dma_start3A_249 = tpu.memref_squeeze %dma_start3A_248 : memref<1x1x64x256xf32, #tpu.memory_space<hbm>> -> memref<64x256xf32, #tpu.memory_space<hbm>>
          %dma_start3A_250 = arith.constant 0 : i32
          %dma_start3A_251 = arith.constant 0 : i32
          %dma_start3A_252 = tpu.memref_slice %arg3[%add3A_9, %run_scoped3A_208, %dma_start3A_250, %dma_start3A_251] : memref<300x26x64x256xf32, #tpu.memory_space<hbm>> -> memref<1x1x64x256xf32, #tpu.memory_space<hbm>>
          %dma_start3A_253 = tpu.memref_squeeze %dma_start3A_252 : memref<1x1x64x256xf32, #tpu.memory_space<hbm>> -> memref<64x256xf32, #tpu.memory_space<hbm>>
          %dma_start3A_254 = arith.constant 0 : i32
          %dma_start3A_255 = arith.constant 0 : i32
          %dma_start3A_256 = tpu.memref_slice %arg4[%run_scoped3A_207, %dma_start3A_254, %dma_start3A_255] : memref<5x64x256xf32, #tpu.memory_space<vmem>> -> memref<1x64x256xf32, #tpu.memory_space<vmem>>
          %dma_start3A_257 = tpu.memref_squeeze %dma_start3A_256 : memref<1x64x256xf32, #tpu.memory_space<vmem>> -> memref<64x256xf32, #tpu.memory_space<vmem>>
          tpu.enqueue_dma source(%dma_start3A_257 : memref<64x256xf32, #tpu.memory_space<vmem>>) target(%dma_start3A_253 : memref<64x256xf32, #tpu.memory_space<hbm>>) target_semaphore(%run_scoped3A_241 : memref<!tpu.dma_semaphore, #tpu.memory_space<semaphore_mem>>)
          %dma_wait3A_258 = arith.constant 0 : i32
          %dma_wait3A_259 = arith.constant 0 : i32
          %dma_wait3A_260 = tpu.memref_slice %arg4[%run_scoped3A_207, %dma_wait3A_258, %dma_wait3A_259] : memref<5x64x256xf32, #tpu.memory_space<vmem>> -> memref<1x64x256xf32, #tpu.memory_space<vmem>>
          %dma_wait3A_261 = tpu.memref_squeeze %dma_wait3A_260 : memref<1x64x256xf32, #tpu.memory_space<vmem>> -> memref<64x256xf32, #tpu.memory_space<vmem>>
          %dma_wait3A_262 = arith.constant 0 : i32
          %dma_wait3A_263 = arith.constant 0 : i32
          %dma_wait3A_264 = tpu.memref_slice %arg3[%add3A_9, %run_scoped3A_208, %dma_wait3A_262, %dma_wait3A_263] : memref<300x26x64x256xf32, #tpu.memory_space<hbm>> -> memref<1x1x64x256xf32, #tpu.memory_space<hbm>>
          %dma_wait3A_265 = tpu.memref_squeeze %dma_wait3A_264 : memref<1x1x64x256xf32, #tpu.memory_space<hbm>> -> memref<64x256xf32, #tpu.memory_space<hbm>>
          %dma_wait3A_266 = arith.constant 0 : i32
          %dma_wait3A_267 = arith.constant 0 : i32
          %dma_wait3A_268 = tpu.memref_slice %arg3[%add3A_9, %run_scoped3A_208, %dma_wait3A_266, %dma_wait3A_267] : memref<300x26x64x256xf32, #tpu.memory_space<hbm>> -> memref<1x1x64x256xf32, #tpu.memory_space<hbm>>
          %dma_wait3A_269 = tpu.memref_squeeze %dma_wait3A_268 : memref<1x1x64x256xf32, #tpu.memory_space<hbm>> -> memref<64x256xf32, #tpu.memory_space<hbm>>
          %dma_wait3A_270 = arith.constant 0 : i32
          %dma_wait3A_271 = arith.constant 0 : i32
          %dma_wait3A_272 = tpu.memref_slice %arg4[%run_scoped3A_207, %dma_wait3A_270, %dma_wait3A_271] : memref<5x64x256xf32, #tpu.memory_space<vmem>> -> memref<1x64x256xf32, #tpu.memory_space<vmem>>
          %dma_wait3A_273 = tpu.memref_squeeze %dma_wait3A_272 : memref<1x64x256xf32, #tpu.memory_space<vmem>> -> memref<64x256xf32, #tpu.memory_space<vmem>>
          tpu.wait_dma2 semaphore(%run_scoped3A_241 : memref<!tpu.dma_semaphore, #tpu.memory_space<semaphore_mem>>) src(%dma_wait3A_273 : memref<64x256xf32, #tpu.memory_space<vmem>>) dst(%dma_wait3A_269 : memref<64x256xf32, #tpu.memory_space<hbm>>)
          tpu.yield
        }) : () -> ()
        %run_scoped3A_209 = arith.constant 3 : i32
        %run_scoped3A_210 = arith.constant 19 : i32
        "tpu.region"() ({
          %run_scoped3A_241 = tpu.sem_alloc : memref<!tpu.dma_semaphore, #tpu.memory_space<semaphore_mem>>
          %dma_start3A_242 = arith.constant 0 : i32
          %dma_start3A_243 = arith.constant 0 : i32
          %dma_start3A_244 = tpu.memref_slice %arg4[%run_scoped3A_209, %dma_start3A_242, %dma_start3A_243] : memref<5x64x256xf32, #tpu.memory_space<vmem>> -> memref<1x64x256xf32, #tpu.memory_space<vmem>>
          %dma_start3A_245 = tpu.memref_squeeze %dma_start3A_244 : memref<1x64x256xf32, #tpu.memory_space<vmem>> -> memref<64x256xf32, #tpu.memory_space<vmem>>
          %dma_start3A_246 = arith.constant 0 : i32
          %dma_start3A_247 = arith.constant 0 : i32
          %dma_start3A_248 = tpu.memref_slice %arg3[%add3A_9, %run_scoped3A_210, %dma_start3A_246, %dma_start3A_247] : memref<300x26x64x256xf32, #tpu.memory_space<hbm>> -> memref<1x1x64x256xf32, #tpu.memory_space<hbm>>
          %dma_start3A_249 = tpu.memref_squeeze %dma_start3A_248 : memref<1x1x64x256xf32, #tpu.memory_space<hbm>> -> memref<64x256xf32, #tpu.memory_space<hbm>>
          %dma_start3A_250 = arith.constant 0 : i32
          %dma_start3A_251 = arith.constant 0 : i32
          %dma_start3A_252 = tpu.memref_slice %arg3[%add3A_9, %run_scoped3A_210, %dma_start3A_250, %dma_start3A_251] : memref<300x26x64x256xf32, #tpu.memory_space<hbm>> -> memref<1x1x64x256xf32, #tpu.memory_space<hbm>>
          %dma_start3A_253 = tpu.memref_squeeze %dma_start3A_252 : memref<1x1x64x256xf32, #tpu.memory_space<hbm>> -> memref<64x256xf32, #tpu.memory_space<hbm>>
          %dma_start3A_254 = arith.constant 0 : i32
          %dma_start3A_255 = arith.constant 0 : i32
          %dma_start3A_256 = tpu.memref_slice %arg4[%run_scoped3A_209, %dma_start3A_254, %dma_start3A_255] : memref<5x64x256xf32, #tpu.memory_space<vmem>> -> memref<1x64x256xf32, #tpu.memory_space<vmem>>
          %dma_start3A_257 = tpu.memref_squeeze %dma_start3A_256 : memref<1x64x256xf32, #tpu.memory_space<vmem>> -> memref<64x256xf32, #tpu.memory_space<vmem>>
          tpu.enqueue_dma source(%dma_start3A_257 : memref<64x256xf32, #tpu.memory_space<vmem>>) target(%dma_start3A_253 : memref<64x256xf32, #tpu.memory_space<hbm>>) target_semaphore(%run_scoped3A_241 : memref<!tpu.dma_semaphore, #tpu.memory_space<semaphore_mem>>)
          %dma_wait3A_258 = arith.constant 0 : i32
          %dma_wait3A_259 = arith.constant 0 : i32
          %dma_wait3A_260 = tpu.memref_slice %arg4[%run_scoped3A_209, %dma_wait3A_258, %dma_wait3A_259] : memref<5x64x256xf32, #tpu.memory_space<vmem>> -> memref<1x64x256xf32, #tpu.memory_space<vmem>>
          %dma_wait3A_261 = tpu.memref_squeeze %dma_wait3A_260 : memref<1x64x256xf32, #tpu.memory_space<vmem>> -> memref<64x256xf32, #tpu.memory_space<vmem>>
          %dma_wait3A_262 = arith.constant 0 : i32
          %dma_wait3A_263 = arith.constant 0 : i32
          %dma_wait3A_264 = tpu.memref_slice %arg3[%add3A_9, %run_scoped3A_210, %dma_wait3A_262, %dma_wait3A_263] : memref<300x26x64x256xf32, #tpu.memory_space<hbm>> -> memref<1x1x64x256xf32, #tpu.memory_space<hbm>>
          %dma_wait3A_265 = tpu.memref_squeeze %dma_wait3A_264 : memref<1x1x64x256xf32, #tpu.memory_space<hbm>> -> memref<64x256xf32, #tpu.memory_space<hbm>>
          %dma_wait3A_266 = arith.constant 0 : i32
          %dma_wait3A_267 = arith.constant 0 : i32
          %dma_wait3A_268 = tpu.memref_slice %arg3[%add3A_9, %run_scoped3A_210, %dma_wait3A_266, %dma_wait3A_267] : memref<300x26x64x256xf32, #tpu.memory_space<hbm>> -> memref<1x1x64x256xf32, #tpu.memory_space<hbm>>
          %dma_wait3A_269 = tpu.memref_squeeze %dma_wait3A_268 : memref<1x1x64x256xf32, #tpu.memory_space<hbm>> -> memref<64x256xf32, #tpu.memory_space<hbm>>
          %dma_wait3A_270 = arith.constant 0 : i32
          %dma_wait3A_271 = arith.constant 0 : i32
          %dma_wait3A_272 = tpu.memref_slice %arg4[%run_scoped3A_209, %dma_wait3A_270, %dma_wait3A_271] : memref<5x64x256xf32, #tpu.memory_space<vmem>> -> memref<1x64x256xf32, #tpu.memory_space<vmem>>
          %dma_wait3A_273 = tpu.memref_squeeze %dma_wait3A_272 : memref<1x64x256xf32, #tpu.memory_space<vmem>> -> memref<64x256xf32, #tpu.memory_space<vmem>>
          tpu.wait_dma2 semaphore(%run_scoped3A_241 : memref<!tpu.dma_semaphore, #tpu.memory_space<semaphore_mem>>) src(%dma_wait3A_273 : memref<64x256xf32, #tpu.memory_space<vmem>>) dst(%dma_wait3A_269 : memref<64x256xf32, #tpu.memory_space<hbm>>)
          tpu.yield
        }) : () -> ()
        %dma_wait3A_211 = arith.constant 4 : i32
        %dma_wait3A_212 = arith.constant 4 : i32
        %dma_wait3A_213 = arith.constant 0 : i32
        %dma_wait3A_214 = arith.constant 0 : i32
        %dma_wait3A_215 = tpu.memref_slice %arg4[%dma_wait3A_212, %dma_wait3A_213, %dma_wait3A_214] : memref<5x64x256xf32, #tpu.memory_space<vmem>> -> memref<1x64x256xf32, #tpu.memory_space<vmem>>
        %dma_wait3A_216 = tpu.memref_squeeze %dma_wait3A_215 : memref<1x64x256xf32, #tpu.memory_space<vmem>> -> memref<64x256xf32, #tpu.memory_space<vmem>>
        %dma_wait3A_217 = arith.constant 0 : i32
        %dma_wait3A_218 = arith.constant 0 : i32
        %dma_wait3A_219 = tpu.memref_slice %arg2[%add3A_9, %dma_wait3A_211, %dma_wait3A_217, %dma_wait3A_218] : memref<300x5x64x256xf32, #tpu.memory_space<hbm>> -> memref<1x1x64x256xf32, #tpu.memory_space<hbm>>
        %dma_wait3A_220 = tpu.memref_squeeze %dma_wait3A_219 : memref<1x1x64x256xf32, #tpu.memory_space<hbm>> -> memref<64x256xf32, #tpu.memory_space<hbm>>
        %dma_wait3A_221 = arith.constant 0 : i32
        %dma_wait3A_222 = arith.constant 0 : i32
        %dma_wait3A_223 = tpu.memref_slice %arg4[%dma_wait3A_212, %dma_wait3A_221, %dma_wait3A_222] : memref<5x64x256xf32, #tpu.memory_space<vmem>> -> memref<1x64x256xf32, #tpu.memory_space<vmem>>
        %dma_wait3A_224 = tpu.memref_squeeze %dma_wait3A_223 : memref<1x64x256xf32, #tpu.memory_space<vmem>> -> memref<64x256xf32, #tpu.memory_space<vmem>>
        %dma_wait3A_225 = arith.constant 0 : i32
        %dma_wait3A_226 = arith.constant 0 : i32
        %dma_wait3A_227 = tpu.memref_slice %arg2[%add3A_9, %dma_wait3A_211, %dma_wait3A_225, %dma_wait3A_226] : memref<300x5x64x256xf32, #tpu.memory_space<hbm>> -> memref<1x1x64x256xf32, #tpu.memory_space<hbm>>
        %dma_wait3A_228 = tpu.memref_squeeze %dma_wait3A_227 : memref<1x1x64x256xf32, #tpu.memory_space<hbm>> -> memref<64x256xf32, #tpu.memory_space<hbm>>
        tpu.wait_dma2 semaphore(%arg5 : memref<!tpu.dma_semaphore, #tpu.memory_space<semaphore_mem>>) src(%dma_wait3A_228 : memref<64x256xf32, #tpu.memory_space<hbm>>) dst(%dma_wait3A_224 : memref<64x256xf32, #tpu.memory_space<vmem>>)
        %run_scoped3A_229 = arith.constant 4 : i32
        %run_scoped3A_230 = arith.constant 20 : i32
        "tpu.region"() ({
          %run_scoped3A_241 = tpu.sem_alloc : memref<!tpu.dma_semaphore, #tpu.memory_space<semaphore_mem>>
          %dma_start3A_242 = arith.constant 0 : i32
          %dma_start3A_243 = arith.constant 0 : i32
          %dma_start3A_244 = tpu.memref_slice %arg4[%run_scoped3A_229, %dma_start3A_242, %dma_start3A_243] : memref<5x64x256xf32, #tpu.memory_space<vmem>> -> memref<1x64x256xf32, #tpu.memory_space<vmem>>
          %dma_start3A_245 = tpu.memref_squeeze %dma_start3A_244 : memref<1x64x256xf32, #tpu.memory_space<vmem>> -> memref<64x256xf32, #tpu.memory_space<vmem>>
          %dma_start3A_246 = arith.constant 0 : i32
          %dma_start3A_247 = arith.constant 0 : i32
          %dma_start3A_248 = tpu.memref_slice %arg3[%add3A_9, %run_scoped3A_230, %dma_start3A_246, %dma_start3A_247] : memref<300x26x64x256xf32, #tpu.memory_space<hbm>> -> memref<1x1x64x256xf32, #tpu.memory_space<hbm>>
          %dma_start3A_249 = tpu.memref_squeeze %dma_start3A_248 : memref<1x1x64x256xf32, #tpu.memory_space<hbm>> -> memref<64x256xf32, #tpu.memory_space<hbm>>
          %dma_start3A_250 = arith.constant 0 : i32
          %dma_start3A_251 = arith.constant 0 : i32
          %dma_start3A_252 = tpu.memref_slice %arg3[%add3A_9, %run_scoped3A_230, %dma_start3A_250, %dma_start3A_251] : memref<300x26x64x256xf32, #tpu.memory_space<hbm>> -> memref<1x1x64x256xf32, #tpu.memory_space<hbm>>
          %dma_start3A_253 = tpu.memref_squeeze %dma_start3A_252 : memref<1x1x64x256xf32, #tpu.memory_space<hbm>> -> memref<64x256xf32, #tpu.memory_space<hbm>>
          %dma_start3A_254 = arith.constant 0 : i32
          %dma_start3A_255 = arith.constant 0 : i32
          %dma_start3A_256 = tpu.memref_slice %arg4[%run_scoped3A_229, %dma_start3A_254, %dma_start3A_255] : memref<5x64x256xf32, #tpu.memory_space<vmem>> -> memref<1x64x256xf32, #tpu.memory_space<vmem>>
          %dma_start3A_257 = tpu.memref_squeeze %dma_start3A_256 : memref<1x64x256xf32, #tpu.memory_space<vmem>> -> memref<64x256xf32, #tpu.memory_space<vmem>>
          tpu.enqueue_dma source(%dma_start3A_257 : memref<64x256xf32, #tpu.memory_space<vmem>>) target(%dma_start3A_253 : memref<64x256xf32, #tpu.memory_space<hbm>>) target_semaphore(%run_scoped3A_241 : memref<!tpu.dma_semaphore, #tpu.memory_space<semaphore_mem>>)
          %dma_wait3A_258 = arith.constant 0 : i32
          %dma_wait3A_259 = arith.constant 0 : i32
          %dma_wait3A_260 = tpu.memref_slice %arg4[%run_scoped3A_229, %dma_wait3A_258, %dma_wait3A_259] : memref<5x64x256xf32, #tpu.memory_space<vmem>> -> memref<1x64x256xf32, #tpu.memory_space<vmem>>
          %dma_wait3A_261 = tpu.memref_squeeze %dma_wait3A_260 : memref<1x64x256xf32, #tpu.memory_space<vmem>> -> memref<64x256xf32, #tpu.memory_space<vmem>>
          %dma_wait3A_262 = arith.constant 0 : i32
          %dma_wait3A_263 = arith.constant 0 : i32
          %dma_wait3A_264 = tpu.memref_slice %arg3[%add3A_9, %run_scoped3A_230, %dma_wait3A_262, %dma_wait3A_263] : memref<300x26x64x256xf32, #tpu.memory_space<hbm>> -> memref<1x1x64x256xf32, #tpu.memory_space<hbm>>
          %dma_wait3A_265 = tpu.memref_squeeze %dma_wait3A_264 : memref<1x1x64x256xf32, #tpu.memory_space<hbm>> -> memref<64x256xf32, #tpu.memory_space<hbm>>
          %dma_wait3A_266 = arith.constant 0 : i32
          %dma_wait3A_267 = arith.constant 0 : i32
          %dma_wait3A_268 = tpu.memref_slice %arg3[%add3A_9, %run_scoped3A_230, %dma_wait3A_266, %dma_wait3A_267] : memref<300x26x64x256xf32, #tpu.memory_space<hbm>> -> memref<1x1x64x256xf32, #tpu.memory_space<hbm>>
          %dma_wait3A_269 = tpu.memref_squeeze %dma_wait3A_268 : memref<1x1x64x256xf32, #tpu.memory_space<hbm>> -> memref<64x256xf32, #tpu.memory_space<hbm>>
          %dma_wait3A_270 = arith.constant 0 : i32
          %dma_wait3A_271 = arith.constant 0 : i32
          %dma_wait3A_272 = tpu.memref_slice %arg4[%run_scoped3A_229, %dma_wait3A_270, %dma_wait3A_271] : memref<5x64x256xf32, #tpu.memory_space<vmem>> -> memref<1x64x256xf32, #tpu.memory_space<vmem>>
          %dma_wait3A_273 = tpu.memref_squeeze %dma_wait3A_272 : memref<1x64x256xf32, #tpu.memory_space<vmem>> -> memref<64x256xf32, #tpu.memory_space<vmem>>
          tpu.wait_dma2 semaphore(%run_scoped3A_241 : memref<!tpu.dma_semaphore, #tpu.memory_space<semaphore_mem>>) src(%dma_wait3A_273 : memref<64x256xf32, #tpu.memory_space<vmem>>) dst(%dma_wait3A_269 : memref<64x256xf32, #tpu.memory_space<hbm>>)
          tpu.yield
        }) : () -> ()
        %run_scoped3A_231 = arith.constant 4 : i32
        %run_scoped3A_232 = arith.constant 21 : i32
        "tpu.region"() ({
          %run_scoped3A_241 = tpu.sem_alloc : memref<!tpu.dma_semaphore, #tpu.memory_space<semaphore_mem>>
          %dma_start3A_242 = arith.constant 0 : i32
          %dma_start3A_243 = arith.constant 0 : i32
          %dma_start3A_244 = tpu.memref_slice %arg4[%run_scoped3A_231, %dma_start3A_242, %dma_start3A_243] : memref<5x64x256xf32, #tpu.memory_space<vmem>> -> memref<1x64x256xf32, #tpu.memory_space<vmem>>
          %dma_start3A_245 = tpu.memref_squeeze %dma_start3A_244 : memref<1x64x256xf32, #tpu.memory_space<vmem>> -> memref<64x256xf32, #tpu.memory_space<vmem>>
          %dma_start3A_246 = arith.constant 0 : i32
          %dma_start3A_247 = arith.constant 0 : i32
          %dma_start3A_248 = tpu.memref_slice %arg3[%add3A_9, %run_scoped3A_232, %dma_start3A_246, %dma_start3A_247] : memref<300x26x64x256xf32, #tpu.memory_space<hbm>> -> memref<1x1x64x256xf32, #tpu.memory_space<hbm>>
          %dma_start3A_249 = tpu.memref_squeeze %dma_start3A_248 : memref<1x1x64x256xf32, #tpu.memory_space<hbm>> -> memref<64x256xf32, #tpu.memory_space<hbm>>
          %dma_start3A_250 = arith.constant 0 : i32
          %dma_start3A_251 = arith.constant 0 : i32
          %dma_start3A_252 = tpu.memref_slice %arg3[%add3A_9, %run_scoped3A_232, %dma_start3A_250, %dma_start3A_251] : memref<300x26x64x256xf32, #tpu.memory_space<hbm>> -> memref<1x1x64x256xf32, #tpu.memory_space<hbm>>
          %dma_start3A_253 = tpu.memref_squeeze %dma_start3A_252 : memref<1x1x64x256xf32, #tpu.memory_space<hbm>> -> memref<64x256xf32, #tpu.memory_space<hbm>>
          %dma_start3A_254 = arith.constant 0 : i32
          %dma_start3A_255 = arith.constant 0 : i32
          %dma_start3A_256 = tpu.memref_slice %arg4[%run_scoped3A_231, %dma_start3A_254, %dma_start3A_255] : memref<5x64x256xf32, #tpu.memory_space<vmem>> -> memref<1x64x256xf32, #tpu.memory_space<vmem>>
          %dma_start3A_257 = tpu.memref_squeeze %dma_start3A_256 : memref<1x64x256xf32, #tpu.memory_space<vmem>> -> memref<64x256xf32, #tpu.memory_space<vmem>>
          tpu.enqueue_dma source(%dma_start3A_257 : memref<64x256xf32, #tpu.memory_space<vmem>>) target(%dma_start3A_253 : memref<64x256xf32, #tpu.memory_space<hbm>>) target_semaphore(%run_scoped3A_241 : memref<!tpu.dma_semaphore, #tpu.memory_space<semaphore_mem>>)
          %dma_wait3A_258 = arith.constant 0 : i32
          %dma_wait3A_259 = arith.constant 0 : i32
          %dma_wait3A_260 = tpu.memref_slice %arg4[%run_scoped3A_231, %dma_wait3A_258, %dma_wait3A_259] : memref<5x64x256xf32, #tpu.memory_space<vmem>> -> memref<1x64x256xf32, #tpu.memory_space<vmem>>
          %dma_wait3A_261 = tpu.memref_squeeze %dma_wait3A_260 : memref<1x64x256xf32, #tpu.memory_space<vmem>> -> memref<64x256xf32, #tpu.memory_space<vmem>>
          %dma_wait3A_262 = arith.constant 0 : i32
          %dma_wait3A_263 = arith.constant 0 : i32
          %dma_wait3A_264 = tpu.memref_slice %arg3[%add3A_9, %run_scoped3A_232, %dma_wait3A_262, %dma_wait3A_263] : memref<300x26x64x256xf32, #tpu.memory_space<hbm>> -> memref<1x1x64x256xf32, #tpu.memory_space<hbm>>
          %dma_wait3A_265 = tpu.memref_squeeze %dma_wait3A_264 : memref<1x1x64x256xf32, #tpu.memory_space<hbm>> -> memref<64x256xf32, #tpu.memory_space<hbm>>
          %dma_wait3A_266 = arith.constant 0 : i32
          %dma_wait3A_267 = arith.constant 0 : i32
          %dma_wait3A_268 = tpu.memref_slice %arg3[%add3A_9, %run_scoped3A_232, %dma_wait3A_266, %dma_wait3A_267] : memref<300x26x64x256xf32, #tpu.memory_space<hbm>> -> memref<1x1x64x256xf32, #tpu.memory_space<hbm>>
          %dma_wait3A_269 = tpu.memref_squeeze %dma_wait3A_268 : memref<1x1x64x256xf32, #tpu.memory_space<hbm>> -> memref<64x256xf32, #tpu.memory_space<hbm>>
          %dma_wait3A_270 = arith.constant 0 : i32
          %dma_wait3A_271 = arith.constant 0 : i32
          %dma_wait3A_272 = tpu.memref_slice %arg4[%run_scoped3A_231, %dma_wait3A_270, %dma_wait3A_271] : memref<5x64x256xf32, #tpu.memory_space<vmem>> -> memref<1x64x256xf32, #tpu.memory_space<vmem>>
          %dma_wait3A_273 = tpu.memref_squeeze %dma_wait3A_272 : memref<1x64x256xf32, #tpu.memory_space<vmem>> -> memref<64x256xf32, #tpu.memory_space<vmem>>
          tpu.wait_dma2 semaphore(%run_scoped3A_241 : memref<!tpu.dma_semaphore, #tpu.memory_space<semaphore_mem>>) src(%dma_wait3A_273 : memref<64x256xf32, #tpu.memory_space<vmem>>) dst(%dma_wait3A_269 : memref<64x256xf32, #tpu.memory_space<hbm>>)
          tpu.yield
        }) : () -> ()
        %run_scoped3A_233 = arith.constant 4 : i32
        %run_scoped3A_234 = arith.constant 22 : i32
        "tpu.region"() ({
          %run_scoped3A_241 = tpu.sem_alloc : memref<!tpu.dma_semaphore, #tpu.memory_space<semaphore_mem>>
          %dma_start3A_242 = arith.constant 0 : i32
          %dma_start3A_243 = arith.constant 0 : i32
          %dma_start3A_244 = tpu.memref_slice %arg4[%run_scoped3A_233, %dma_start3A_242, %dma_start3A_243] : memref<5x64x256xf32, #tpu.memory_space<vmem>> -> memref<1x64x256xf32, #tpu.memory_space<vmem>>
          %dma_start3A_245 = tpu.memref_squeeze %dma_start3A_244 : memref<1x64x256xf32, #tpu.memory_space<vmem>> -> memref<64x256xf32, #tpu.memory_space<vmem>>
          %dma_start3A_246 = arith.constant 0 : i32
          %dma_start3A_247 = arith.constant 0 : i32
          %dma_start3A_248 = tpu.memref_slice %arg3[%add3A_9, %run_scoped3A_234, %dma_start3A_246, %dma_start3A_247] : memref<300x26x64x256xf32, #tpu.memory_space<hbm>> -> memref<1x1x64x256xf32, #tpu.memory_space<hbm>>
          %dma_start3A_249 = tpu.memref_squeeze %dma_start3A_248 : memref<1x1x64x256xf32, #tpu.memory_space<hbm>> -> memref<64x256xf32, #tpu.memory_space<hbm>>
          %dma_start3A_250 = arith.constant 0 : i32
          %dma_start3A_251 = arith.constant 0 : i32
          %dma_start3A_252 = tpu.memref_slice %arg3[%add3A_9, %run_scoped3A_234, %dma_start3A_250, %dma_start3A_251] : memref<300x26x64x256xf32, #tpu.memory_space<hbm>> -> memref<1x1x64x256xf32, #tpu.memory_space<hbm>>
          %dma_start3A_253 = tpu.memref_squeeze %dma_start3A_252 : memref<1x1x64x256xf32, #tpu.memory_space<hbm>> -> memref<64x256xf32, #tpu.memory_space<hbm>>
          %dma_start3A_254 = arith.constant 0 : i32
          %dma_start3A_255 = arith.constant 0 : i32
          %dma_start3A_256 = tpu.memref_slice %arg4[%run_scoped3A_233, %dma_start3A_254, %dma_start3A_255] : memref<5x64x256xf32, #tpu.memory_space<vmem>> -> memref<1x64x256xf32, #tpu.memory_space<vmem>>
          %dma_start3A_257 = tpu.memref_squeeze %dma_start3A_256 : memref<1x64x256xf32, #tpu.memory_space<vmem>> -> memref<64x256xf32, #tpu.memory_space<vmem>>
          tpu.enqueue_dma source(%dma_start3A_257 : memref<64x256xf32, #tpu.memory_space<vmem>>) target(%dma_start3A_253 : memref<64x256xf32, #tpu.memory_space<hbm>>) target_semaphore(%run_scoped3A_241 : memref<!tpu.dma_semaphore, #tpu.memory_space<semaphore_mem>>)
          %dma_wait3A_258 = arith.constant 0 : i32
          %dma_wait3A_259 = arith.constant 0 : i32
          %dma_wait3A_260 = tpu.memref_slice %arg4[%run_scoped3A_233, %dma_wait3A_258, %dma_wait3A_259] : memref<5x64x256xf32, #tpu.memory_space<vmem>> -> memref<1x64x256xf32, #tpu.memory_space<vmem>>
          %dma_wait3A_261 = tpu.memref_squeeze %dma_wait3A_260 : memref<1x64x256xf32, #tpu.memory_space<vmem>> -> memref<64x256xf32, #tpu.memory_space<vmem>>
          %dma_wait3A_262 = arith.constant 0 : i32
          %dma_wait3A_263 = arith.constant 0 : i32
          %dma_wait3A_264 = tpu.memref_slice %arg3[%add3A_9, %run_scoped3A_234, %dma_wait3A_262, %dma_wait3A_263] : memref<300x26x64x256xf32, #tpu.memory_space<hbm>> -> memref<1x1x64x256xf32, #tpu.memory_space<hbm>>
          %dma_wait3A_265 = tpu.memref_squeeze %dma_wait3A_264 : memref<1x1x64x256xf32, #tpu.memory_space<hbm>> -> memref<64x256xf32, #tpu.memory_space<hbm>>
          %dma_wait3A_266 = arith.constant 0 : i32
          %dma_wait3A_267 = arith.constant 0 : i32
          %dma_wait3A_268 = tpu.memref_slice %arg3[%add3A_9, %run_scoped3A_234, %dma_wait3A_266, %dma_wait3A_267] : memref<300x26x64x256xf32, #tpu.memory_space<hbm>> -> memref<1x1x64x256xf32, #tpu.memory_space<hbm>>
          %dma_wait3A_269 = tpu.memref_squeeze %dma_wait3A_268 : memref<1x1x64x256xf32, #tpu.memory_space<hbm>> -> memref<64x256xf32, #tpu.memory_space<hbm>>
          %dma_wait3A_270 = arith.constant 0 : i32
          %dma_wait3A_271 = arith.constant 0 : i32
          %dma_wait3A_272 = tpu.memref_slice %arg4[%run_scoped3A_233, %dma_wait3A_270, %dma_wait3A_271] : memref<5x64x256xf32, #tpu.memory_space<vmem>> -> memref<1x64x256xf32, #tpu.memory_space<vmem>>
          %dma_wait3A_273 = tpu.memref_squeeze %dma_wait3A_272 : memref<1x64x256xf32, #tpu.memory_space<vmem>> -> memref<64x256xf32, #tpu.memory_space<vmem>>
          tpu.wait_dma2 semaphore(%run_scoped3A_241 : memref<!tpu.dma_semaphore, #tpu.memory_space<semaphore_mem>>) src(%dma_wait3A_273 : memref<64x256xf32, #tpu.memory_space<vmem>>) dst(%dma_wait3A_269 : memref<64x256xf32, #tpu.memory_space<hbm>>)
          tpu.yield
        }) : () -> ()
        %run_scoped3A_235 = arith.constant 4 : i32
        %run_scoped3A_236 = arith.constant 23 : i32
        "tpu.region"() ({
          %run_scoped3A_241 = tpu.sem_alloc : memref<!tpu.dma_semaphore, #tpu.memory_space<semaphore_mem>>
          %dma_start3A_242 = arith.constant 0 : i32
          %dma_start3A_243 = arith.constant 0 : i32
          %dma_start3A_244 = tpu.memref_slice %arg4[%run_scoped3A_235, %dma_start3A_242, %dma_start3A_243] : memref<5x64x256xf32, #tpu.memory_space<vmem>> -> memref<1x64x256xf32, #tpu.memory_space<vmem>>
          %dma_start3A_245 = tpu.memref_squeeze %dma_start3A_244 : memref<1x64x256xf32, #tpu.memory_space<vmem>> -> memref<64x256xf32, #tpu.memory_space<vmem>>
          %dma_start3A_246 = arith.constant 0 : i32
          %dma_start3A_247 = arith.constant 0 : i32
          %dma_start3A_248 = tpu.memref_slice %arg3[%add3A_9, %run_scoped3A_236, %dma_start3A_246, %dma_start3A_247] : memref<300x26x64x256xf32, #tpu.memory_space<hbm>> -> memref<1x1x64x256xf32, #tpu.memory_space<hbm>>
          %dma_start3A_249 = tpu.memref_squeeze %dma_start3A_248 : memref<1x1x64x256xf32, #tpu.memory_space<hbm>> -> memref<64x256xf32, #tpu.memory_space<hbm>>
          %dma_start3A_250 = arith.constant 0 : i32
          %dma_start3A_251 = arith.constant 0 : i32
          %dma_start3A_252 = tpu.memref_slice %arg3[%add3A_9, %run_scoped3A_236, %dma_start3A_250, %dma_start3A_251] : memref<300x26x64x256xf32, #tpu.memory_space<hbm>> -> memref<1x1x64x256xf32, #tpu.memory_space<hbm>>
          %dma_start3A_253 = tpu.memref_squeeze %dma_start3A_252 : memref<1x1x64x256xf32, #tpu.memory_space<hbm>> -> memref<64x256xf32, #tpu.memory_space<hbm>>
          %dma_start3A_254 = arith.constant 0 : i32
          %dma_start3A_255 = arith.constant 0 : i32
          %dma_start3A_256 = tpu.memref_slice %arg4[%run_scoped3A_235, %dma_start3A_254, %dma_start3A_255] : memref<5x64x256xf32, #tpu.memory_space<vmem>> -> memref<1x64x256xf32, #tpu.memory_space<vmem>>
          %dma_start3A_257 = tpu.memref_squeeze %dma_start3A_256 : memref<1x64x256xf32, #tpu.memory_space<vmem>> -> memref<64x256xf32, #tpu.memory_space<vmem>>
          tpu.enqueue_dma source(%dma_start3A_257 : memref<64x256xf32, #tpu.memory_space<vmem>>) target(%dma_start3A_253 : memref<64x256xf32, #tpu.memory_space<hbm>>) target_semaphore(%run_scoped3A_241 : memref<!tpu.dma_semaphore, #tpu.memory_space<semaphore_mem>>)
          %dma_wait3A_258 = arith.constant 0 : i32
          %dma_wait3A_259 = arith.constant 0 : i32
          %dma_wait3A_260 = tpu.memref_slice %arg4[%run_scoped3A_235, %dma_wait3A_258, %dma_wait3A_259] : memref<5x64x256xf32, #tpu.memory_space<vmem>> -> memref<1x64x256xf32, #tpu.memory_space<vmem>>
          %dma_wait3A_261 = tpu.memref_squeeze %dma_wait3A_260 : memref<1x64x256xf32, #tpu.memory_space<vmem>> -> memref<64x256xf32, #tpu.memory_space<vmem>>
          %dma_wait3A_262 = arith.constant 0 : i32
          %dma_wait3A_263 = arith.constant 0 : i32
          %dma_wait3A_264 = tpu.memref_slice %arg3[%add3A_9, %run_scoped3A_236, %dma_wait3A_262, %dma_wait3A_263] : memref<300x26x64x256xf32, #tpu.memory_space<hbm>> -> memref<1x1x64x256xf32, #tpu.memory_space<hbm>>
          %dma_wait3A_265 = tpu.memref_squeeze %dma_wait3A_264 : memref<1x1x64x256xf32, #tpu.memory_space<hbm>> -> memref<64x256xf32, #tpu.memory_space<hbm>>
          %dma_wait3A_266 = arith.constant 0 : i32
          %dma_wait3A_267 = arith.constant 0 : i32
          %dma_wait3A_268 = tpu.memref_slice %arg3[%add3A_9, %run_scoped3A_236, %dma_wait3A_266, %dma_wait3A_267] : memref<300x26x64x256xf32, #tpu.memory_space<hbm>> -> memref<1x1x64x256xf32, #tpu.memory_space<hbm>>
          %dma_wait3A_269 = tpu.memref_squeeze %dma_wait3A_268 : memref<1x1x64x256xf32, #tpu.memory_space<hbm>> -> memref<64x256xf32, #tpu.memory_space<hbm>>
          %dma_wait3A_270 = arith.constant 0 : i32
          %dma_wait3A_271 = arith.constant 0 : i32
          %dma_wait3A_272 = tpu.memref_slice %arg4[%run_scoped3A_235, %dma_wait3A_270, %dma_wait3A_271] : memref<5x64x256xf32, #tpu.memory_space<vmem>> -> memref<1x64x256xf32, #tpu.memory_space<vmem>>
          %dma_wait3A_273 = tpu.memref_squeeze %dma_wait3A_272 : memref<1x64x256xf32, #tpu.memory_space<vmem>> -> memref<64x256xf32, #tpu.memory_space<vmem>>
          tpu.wait_dma2 semaphore(%run_scoped3A_241 : memref<!tpu.dma_semaphore, #tpu.memory_space<semaphore_mem>>) src(%dma_wait3A_273 : memref<64x256xf32, #tpu.memory_space<vmem>>) dst(%dma_wait3A_269 : memref<64x256xf32, #tpu.memory_space<hbm>>)
          tpu.yield
        }) : () -> ()
        %run_scoped3A_237 = arith.constant 4 : i32
        %run_scoped3A_238 = arith.constant 24 : i32
        "tpu.region"() ({
          %run_scoped3A_241 = tpu.sem_alloc : memref<!tpu.dma_semaphore, #tpu.memory_space<semaphore_mem>>
          %dma_start3A_242 = arith.constant 0 : i32
          %dma_start3A_243 = arith.constant 0 : i32
          %dma_start3A_244 = tpu.memref_slice %arg4[%run_scoped3A_237, %dma_start3A_242, %dma_start3A_243] : memref<5x64x256xf32, #tpu.memory_space<vmem>> -> memref<1x64x256xf32, #tpu.memory_space<vmem>>
          %dma_start3A_245 = tpu.memref_squeeze %dma_start3A_244 : memref<1x64x256xf32, #tpu.memory_space<vmem>> -> memref<64x256xf32, #tpu.memory_space<vmem>>
          %dma_start3A_246 = arith.constant 0 : i32
          %dma_start3A_247 = arith.constant 0 : i32
          %dma_start3A_248 = tpu.memref_slice %arg3[%add3A_9, %run_scoped3A_238, %dma_start3A_246, %dma_start3A_247] : memref<300x26x64x256xf32, #tpu.memory_space<hbm>> -> memref<1x1x64x256xf32, #tpu.memory_space<hbm>>
          %dma_start3A_249 = tpu.memref_squeeze %dma_start3A_248 : memref<1x1x64x256xf32, #tpu.memory_space<hbm>> -> memref<64x256xf32, #tpu.memory_space<hbm>>
          %dma_start3A_250 = arith.constant 0 : i32
          %dma_start3A_251 = arith.constant 0 : i32
          %dma_start3A_252 = tpu.memref_slice %arg3[%add3A_9, %run_scoped3A_238, %dma_start3A_250, %dma_start3A_251] : memref<300x26x64x256xf32, #tpu.memory_space<hbm>> -> memref<1x1x64x256xf32, #tpu.memory_space<hbm>>
          %dma_start3A_253 = tpu.memref_squeeze %dma_start3A_252 : memref<1x1x64x256xf32, #tpu.memory_space<hbm>> -> memref<64x256xf32, #tpu.memory_space<hbm>>
          %dma_start3A_254 = arith.constant 0 : i32
          %dma_start3A_255 = arith.constant 0 : i32
          %dma_start3A_256 = tpu.memref_slice %arg4[%run_scoped3A_237, %dma_start3A_254, %dma_start3A_255] : memref<5x64x256xf32, #tpu.memory_space<vmem>> -> memref<1x64x256xf32, #tpu.memory_space<vmem>>
          %dma_start3A_257 = tpu.memref_squeeze %dma_start3A_256 : memref<1x64x256xf32, #tpu.memory_space<vmem>> -> memref<64x256xf32, #tpu.memory_space<vmem>>
          tpu.enqueue_dma source(%dma_start3A_257 : memref<64x256xf32, #tpu.memory_space<vmem>>) target(%dma_start3A_253 : memref<64x256xf32, #tpu.memory_space<hbm>>) target_semaphore(%run_scoped3A_241 : memref<!tpu.dma_semaphore, #tpu.memory_space<semaphore_mem>>)
          %dma_wait3A_258 = arith.constant 0 : i32
          %dma_wait3A_259 = arith.constant 0 : i32
          %dma_wait3A_260 = tpu.memref_slice %arg4[%run_scoped3A_237, %dma_wait3A_258, %dma_wait3A_259] : memref<5x64x256xf32, #tpu.memory_space<vmem>> -> memref<1x64x256xf32, #tpu.memory_space<vmem>>
          %dma_wait3A_261 = tpu.memref_squeeze %dma_wait3A_260 : memref<1x64x256xf32, #tpu.memory_space<vmem>> -> memref<64x256xf32, #tpu.memory_space<vmem>>
          %dma_wait3A_262 = arith.constant 0 : i32
          %dma_wait3A_263 = arith.constant 0 : i32
          %dma_wait3A_264 = tpu.memref_slice %arg3[%add3A_9, %run_scoped3A_238, %dma_wait3A_262, %dma_wait3A_263] : memref<300x26x64x256xf32, #tpu.memory_space<hbm>> -> memref<1x1x64x256xf32, #tpu.memory_space<hbm>>
          %dma_wait3A_265 = tpu.memref_squeeze %dma_wait3A_264 : memref<1x1x64x256xf32, #tpu.memory_space<hbm>> -> memref<64x256xf32, #tpu.memory_space<hbm>>
          %dma_wait3A_266 = arith.constant 0 : i32
          %dma_wait3A_267 = arith.constant 0 : i32
          %dma_wait3A_268 = tpu.memref_slice %arg3[%add3A_9, %run_scoped3A_238, %dma_wait3A_266, %dma_wait3A_267] : memref<300x26x64x256xf32, #tpu.memory_space<hbm>> -> memref<1x1x64x256xf32, #tpu.memory_space<hbm>>
          %dma_wait3A_269 = tpu.memref_squeeze %dma_wait3A_268 : memref<1x1x64x256xf32, #tpu.memory_space<hbm>> -> memref<64x256xf32, #tpu.memory_space<hbm>>
          %dma_wait3A_270 = arith.constant 0 : i32
          %dma_wait3A_271 = arith.constant 0 : i32
          %dma_wait3A_272 = tpu.memref_slice %arg4[%run_scoped3A_237, %dma_wait3A_270, %dma_wait3A_271] : memref<5x64x256xf32, #tpu.memory_space<vmem>> -> memref<1x64x256xf32, #tpu.memory_space<vmem>>
          %dma_wait3A_273 = tpu.memref_squeeze %dma_wait3A_272 : memref<1x64x256xf32, #tpu.memory_space<vmem>> -> memref<64x256xf32, #tpu.memory_space<vmem>>
          tpu.wait_dma2 semaphore(%run_scoped3A_241 : memref<!tpu.dma_semaphore, #tpu.memory_space<semaphore_mem>>) src(%dma_wait3A_273 : memref<64x256xf32, #tpu.memory_space<vmem>>) dst(%dma_wait3A_269 : memref<64x256xf32, #tpu.memory_space<hbm>>)
          tpu.yield
        }) : () -> ()
        %run_scoped3A_239 = arith.constant 4 : i32
        %run_scoped3A_240 = arith.constant 25 : i32
        "tpu.region"() ({
          %run_scoped3A_241 = tpu.sem_alloc : memref<!tpu.dma_semaphore, #tpu.memory_space<semaphore_mem>>
          %dma_start3A_242 = arith.constant 0 : i32
          %dma_start3A_243 = arith.constant 0 : i32
          %dma_start3A_244 = tpu.memref_slice %arg4[%run_scoped3A_239, %dma_start3A_242, %dma_start3A_243] : memref<5x64x256xf32, #tpu.memory_space<vmem>> -> memref<1x64x256xf32, #tpu.memory_space<vmem>>
          %dma_start3A_245 = tpu.memref_squeeze %dma_start3A_244 : memref<1x64x256xf32, #tpu.memory_space<vmem>> -> memref<64x256xf32, #tpu.memory_space<vmem>>
          %dma_start3A_246 = arith.constant 0 : i32
          %dma_start3A_247 = arith.constant 0 : i32
          %dma_start3A_248 = tpu.memref_slice %arg3[%add3A_9, %run_scoped3A_240, %dma_start3A_246, %dma_start3A_247] : memref<300x26x64x256xf32, #tpu.memory_space<hbm>> -> memref<1x1x64x256xf32, #tpu.memory_space<hbm>>
          %dma_start3A_249 = tpu.memref_squeeze %dma_start3A_248 : memref<1x1x64x256xf32, #tpu.memory_space<hbm>> -> memref<64x256xf32, #tpu.memory_space<hbm>>
          %dma_start3A_250 = arith.constant 0 : i32
          %dma_start3A_251 = arith.constant 0 : i32
          %dma_start3A_252 = tpu.memref_slice %arg3[%add3A_9, %run_scoped3A_240, %dma_start3A_250, %dma_start3A_251] : memref<300x26x64x256xf32, #tpu.memory_space<hbm>> -> memref<1x1x64x256xf32, #tpu.memory_space<hbm>>
          %dma_start3A_253 = tpu.memref_squeeze %dma_start3A_252 : memref<1x1x64x256xf32, #tpu.memory_space<hbm>> -> memref<64x256xf32, #tpu.memory_space<hbm>>
          %dma_start3A_254 = arith.constant 0 : i32
          %dma_start3A_255 = arith.constant 0 : i32
          %dma_start3A_256 = tpu.memref_slice %arg4[%run_scoped3A_239, %dma_start3A_254, %dma_start3A_255] : memref<5x64x256xf32, #tpu.memory_space<vmem>> -> memref<1x64x256xf32, #tpu.memory_space<vmem>>
          %dma_start3A_257 = tpu.memref_squeeze %dma_start3A_256 : memref<1x64x256xf32, #tpu.memory_space<vmem>> -> memref<64x256xf32, #tpu.memory_space<vmem>>
          tpu.enqueue_dma source(%dma_start3A_257 : memref<64x256xf32, #tpu.memory_space<vmem>>) target(%dma_start3A_253 : memref<64x256xf32, #tpu.memory_space<hbm>>) target_semaphore(%run_scoped3A_241 : memref<!tpu.dma_semaphore, #tpu.memory_space<semaphore_mem>>)
          %dma_wait3A_258 = arith.constant 0 : i32
          %dma_wait3A_259 = arith.constant 0 : i32
          %dma_wait3A_260 = tpu.memref_slice %arg4[%run_scoped3A_239, %dma_wait3A_258, %dma_wait3A_259] : memref<5x64x256xf32, #tpu.memory_space<vmem>> -> memref<1x64x256xf32, #tpu.memory_space<vmem>>
          %dma_wait3A_261 = tpu.memref_squeeze %dma_wait3A_260 : memref<1x64x256xf32, #tpu.memory_space<vmem>> -> memref<64x256xf32, #tpu.memory_space<vmem>>
          %dma_wait3A_262 = arith.constant 0 : i32
          %dma_wait3A_263 = arith.constant 0 : i32
          %dma_wait3A_264 = tpu.memref_slice %arg3[%add3A_9, %run_scoped3A_240, %dma_wait3A_262, %dma_wait3A_263] : memref<300x26x64x256xf32, #tpu.memory_space<hbm>> -> memref<1x1x64x256xf32, #tpu.memory_space<hbm>>
          %dma_wait3A_265 = tpu.memref_squeeze %dma_wait3A_264 : memref<1x1x64x256xf32, #tpu.memory_space<hbm>> -> memref<64x256xf32, #tpu.memory_space<hbm>>
          %dma_wait3A_266 = arith.constant 0 : i32
          %dma_wait3A_267 = arith.constant 0 : i32
          %dma_wait3A_268 = tpu.memref_slice %arg3[%add3A_9, %run_scoped3A_240, %dma_wait3A_266, %dma_wait3A_267] : memref<300x26x64x256xf32, #tpu.memory_space<hbm>> -> memref<1x1x64x256xf32, #tpu.memory_space<hbm>>
          %dma_wait3A_269 = tpu.memref_squeeze %dma_wait3A_268 : memref<1x1x64x256xf32, #tpu.memory_space<hbm>> -> memref<64x256xf32, #tpu.memory_space<hbm>>
          %dma_wait3A_270 = arith.constant 0 : i32
          %dma_wait3A_271 = arith.constant 0 : i32
          %dma_wait3A_272 = tpu.memref_slice %arg4[%run_scoped3A_239, %dma_wait3A_270, %dma_wait3A_271] : memref<5x64x256xf32, #tpu.memory_space<vmem>> -> memref<1x64x256xf32, #tpu.memory_space<vmem>>
          %dma_wait3A_273 = tpu.memref_squeeze %dma_wait3A_272 : memref<1x64x256xf32, #tpu.memory_space<vmem>> -> memref<64x256xf32, #tpu.memory_space<vmem>>
          tpu.wait_dma2 semaphore(%run_scoped3A_241 : memref<!tpu.dma_semaphore, #tpu.memory_space<semaphore_mem>>) src(%dma_wait3A_273 : memref<64x256xf32, #tpu.memory_space<vmem>>) dst(%dma_wait3A_269 : memref<64x256xf32, #tpu.memory_space<hbm>>)
          tpu.yield
        }) : () -> ()
      } else {
      }
    }
    %scan3A_5 = arith.constant 10 : i32
    return
  }
}

</mosaic_0001>

<sc_bundles>
// kernel: kernel.3.cloned.1.call-start
scs
__scs_entry_jumppad:
0x0: {  	(pc) =	sbr.rel $0x88, $3  }
0x1: {  	(tag) =	ssettag $0x0;
	lr =	simm.s32 $0x1  }
0x2: {  	[smem:$0x3FA0] =	sst lr;
	_ =	strace $0xD0000000  }
0x3: {  	_ = 	snop  }
0x4: {  	_ = 	snop  }
0x5: {  	_ = 	snop  }
0x6: {  	_ = 	snop  }
0x7: {  	_ = 	snop  }
__scs_overlays_trampoline_lowered:
0x8: {  	[smem:$0x3FAF] =	sst s0  }
0x9: {  	[smem:$0x3FB0] =	sst s1  }
0xa: {  	[smem:$0x3FB1] =	sst s2  }
0xb: {  	[smem:$0x3FB2] =	sst s3  }
0xc: {  	[smem:$0x3FB3] =	sst s4  }
0xd: {  	[smem:$0x3FB4] =	sst s5  }
0xe: {  	[smem:$0x3FB5] =	sst s6  }
0xf: {  	[smem:$0x3FB6] =	sst s7  }
0x10: {  	[smem:$0x3FB7] =	sst s8  }
0x11: {  	[smem:$0x3FB8] =	sst s9;
	s0 =	simm.s32 @!p0 $0x0  }
0x12: {  	s1 =	sld [smem:$0x3F9E];
	s0 =	simm.s32 @p0 $0x1  }
0x13: {  	[smem:$0x3FB9] =	sst s0;
	s0 =	simm.s32 @!p1 $0x0  }
0x14: {  	s2 =	sld [smem:$0x3F9D];
	s0 =	simm.s32 @p1 $0x1  }
0x15: {  	[smem:$0x3FBA] =	sst s0;
	s0 =	simm.s32 @!p2 $0x0  }
0x16: {  	s3 =	sld [smem:$0x3FDB];
	s0 =	simm.s32 @p2 $0x1  }
0x17: {  	s4 =	simm.s32 $0x1BF5;
	[smem:$0x3FBC] =	sst s0  }
0x18: {  	s0 =	sld [smem:$0x3F9F];
	_ =	swait.ge [sflag:s4], $0x0  }
0x19: {  	s7 =	sld [smem:$0x3FA0]  }
0x1a: {  	s8 =	sadd.s32 $0xFFFFE003, lr  }
0x1b: {  	s9 =	sadd.s32 $0xFFFFFEF7, lr;
	s5 =	simm.s32 $0xFFFFFFFF;
	p2 =	slt.u32 s8, $0xFFFFF086  }
0x1c: {  	p1 =	slt.u32 s9, $0xF7A;
	s5 =	simm.s32 @!p2 $0x0  }
0x1d: {  	s5 =	simm.s32 @p1 $0x1;
	p0 =	seq.s32 s7, s2  }
0x1e: {  	s7 =	smul.u32 @!p0 $0xF7A, s2;
	p2 =	seq.s32 @!p0 s5, $0x0  }
0x1f: {  	s9 =	smul.u32 $0xF7A, s1;
	s8 =	simm.s32 @!p0 $0x1BF5;
	p2 =	por !p2, p0  }
0x20: {  	[sflag:s8] =	ssyncset.s32 @!p0 $0xFFFFF086;
	s6 =	sadd.s32 @!p0 s3, s7;
	s7 =	simm.s32 @!p0 $0x108  }
0x21: {  	s3 =	sadd.s32 s3, s9;
	s6 =	sadd.s32 @!p0 $0x88, s6;
	s7 =	simm.s32 @p2 $0x1082  }
0x22: {  	[simem:s7], [sflag:s8] =	dma.local @!p0 [hbm:s6], $0xF7A  }
0x23: {  	s9 =	sor.u32 $0xD0000000, s2;
	s6 =	simm.s32 $0x108;
	_ =	swait.ge @!p0 [sflag:s8], $0x0  }
0x24: {  	s3 =	sadd.s32 $0x88, s3;
	s6 =	simm.s32 @!p1 $0x1082;
	[sflag:s4] =	ssyncset.s32 $0xFFFFF086  }
0x25: {  	[simem:s6], [sflag:s4] =	dma.local [hbm:s3], $0xF7A  }
0x26: {  	[smem:$0x3FA0] =	sst s1;
	(tag) =	ssettag s2;
	_ =	strace s9  }
0x27: {  	s1 =	sld [smem:$0x3FB0]  }
0x28: {  	s2 =	sld [smem:$0x3FB1]  }
0x29: {  	s4 =	sld [smem:$0x3FB3]  }
0x2a: {  	p0 =	seq.s32 s5, $0x0;
	s5 =	sld [smem:$0x3FB4]  }
0x2b: {  	s6 =	sld [smem:$0x3FB5]  }
0x2c: {  	s7 =	sld [smem:$0x3FB6]  }
0x2d: {  	s3 =	simm.s32 $0x108;
	s8 =	sld [smem:$0x3FB7]  }
0x2e: {  	s3 =	simm.s32 @!p0 $0x1082;
	s9 =	sld [smem:$0x3FB8]  }
0x2f: {  	lr =	sadd.s32 s0, s3;
	s0 =	sld [smem:$0x3FAF]  }
0x30: {  	s3 =	sld [smem:$0x3FB2]  }
0x31: {  	[smem:$0x3FBB] =	sst s10  }
0x32: {  	s10 =	sld [smem:$0x3FB9];
	_ =	sdelay $0x3  }
0x33: {  	p0 =	seq.s32 s10, $0x1;
	s10 =	sld [smem:$0x3FBB];
	_ =	sdelay $0x3  }
0x34: {  	[smem:$0x3FBB] =	sst s10  }
0x35: {  	s10 =	sld [smem:$0x3FBA];
	_ =	sdelay $0x3  }
0x36: {  	p1 =	seq.s32 s10, $0x1;
	s10 =	sld [smem:$0x3FBB];
	_ =	sdelay $0x3  }
0x37: {  	[smem:$0x3FBB] =	sst s10  }
0x38: {  	s10 =	sld [smem:$0x3FBC]  }
0x39: {  	_ = 	snop;
	(pc) =	sbr.ind lr, $3  }
0x3a: {  	_ = 	snop  }
0x3b: {  	_ = 	snop  }
0x3c: {  	p2 =	seq.s32 s10, $0x1;
	s10 =	sld [smem:$0x3FBB]  }
0x3d: {  	_ =	shalt  }
0x3e: {  	_ =	shalt  }
0x3f: {  	_ =	shalt  }
0x40: {  	_ =	shalt  }
0x41: {  	_ =	shalt  }
0x42: {  	_ =	shalt  }
0x43: {  	_ =	shalt  }
0x44: {  	_ =	shalt  }
0x45: {  	_ =	shalt  }
0x46: {  	_ =	shalt  }
0x47: {  	_ =	shalt  }
0x48: {  	_ =	shalt  }
0x49: {  	_ =	shalt  }
0x4a: {  	_ =	shalt  }
0x4b: {  	_ =	shalt  }
0x4c: {  	_ =	shalt  }
0x4d: {  	_ =	shalt  }
0x4e: {  	_ =	shalt  }
0x4f: {  	_ =	shalt  }
0x50: {  	_ =	shalt  }
0x51: {  	_ =	shalt  }
0x52: {  	_ =	shalt  }
0x53: {  	_ =	shalt  }
0x54: {  	_ =	shalt  }
0x55: {  	_ =	shalt  }
0x56: {  	_ =	shalt  }
0x57: {  	_ =	shalt  }
0x58: {  	_ =	shalt  }
0x59: {  	_ =	shalt  }
0x5a: {  	_ =	shalt  }
0x5b: {  	_ =	shalt  }
0x5c: {  	_ =	shalt  }
0x5d: {  	_ =	shalt  }
0x5e: {  	_ =	shalt  }
0x5f: {  	_ =	shalt  }
0x60: {  	_ =	shalt  }
0x61: {  	_ =	shalt  }
0x62: {  	_ =	shalt  }
0x63: {  	_ =	shalt  }
0x64: {  	_ =	shalt  }
0x65: {  	_ =	shalt  }
0x66: {  	_ =	shalt  }
0x67: {  	_ =	shalt  }
0x68: {  	_ =	shalt  }
0x69: {  	_ =	shalt  }
0x6a: {  	_ =	shalt  }
0x6b: {  	_ =	shalt  }
0x6c: {  	_ =	shalt  }
0x6d: {  	_ =	shalt  }
0x6e: {  	_ =	shalt  }
0x6f: {  	_ =	shalt  }
0x70: {  	_ =	shalt  }
0x71: {  	_ =	shalt  }
0x72: {  	_ =	shalt  }
0x73: {  	_ =	shalt  }
0x74: {  	_ =	shalt  }
0x75: {  	_ =	shalt  }
0x76: {  	_ =	shalt  }
0x77: {  	_ =	shalt  }
0x78: {  	_ =	shalt  }
0x79: {  	_ =	shalt  }
0x7a: {  	_ =	shalt  }
0x7b: {  	_ =	shalt  }
0x7c: {  	_ =	shalt  }
0x7d: {  	_ =	shalt  }
0x7e: {  	_ =	shalt  }
0x7f: {  	_ =	shalt  }
0x80: {  	_ =	shalt  }
0x81: {  	_ =	shalt  }
0x82: {  	_ =	shalt  }
0x83: {  	_ =	shalt  }
0x84: {  	_ =	shalt  }
0x85: {  	_ =	shalt  }
0x86: {  	_ =	shalt  }
0x87: {  	_ =	shalt  }
.Lfunc_end0:
.L_simem_size_0:
called_computation_lowered:
.L_overlay_start_0:
0x88: {  	s2 =	sld [smem:$0x3FD9]  }
0x89: {  	s3 =	sld [smem:$0x3FFE];
	_ =	sdelay $0x1  }
0x8a: {  	s1 =	srdreg.scid  }
0x8b: {  	s0 =	sand.u32 $0x1, s1  }
0x8c: {  	s18 =	sshll.u32 s0, $0xA;
	s2 =	sadd.s32 s3, s2  }
0x8d: {  	s2 =	sadd.s32 s2, s18  }
0x8e: {  	[smem:$0x3FC7] =	sst s2  }
0x8f: {  	_ = 	snop  }
0x90: {  	s2 =	sld [smem:$0x3FC9]  }
0x91: {  	s19 =	sld [smem:$0x3FD0];
	(tm) =	ssettm $0x1  }
0x92: {  	s4 =	sld [smem:$0x3FFB];
	_ =	sdelay $0x3  }
0x93: {  	_ =	strace s4  }
0x94: {  	s4 =	sld [smem:$0x3FFC];
	_ =	sdelay $0x3  }
0x95: {  	_ =	strace s4  }
0x96: {  	s4 =	sld [smem:$0x3FFD];
	_ =	sdelay $0x3  }
0x97: {  	_ =	strace s4  }
0x98: {  	_ =	strace $0x8FFFFFFF  }
0x99: {  	s20 =	sld [smem:$0x3FDB];
	_ =	sdelay $0x1  }
0x9a: {  	s5 =	simm.s32 $_scs_section_size  }
0x9b: {  	s6 =	simm.s32 $_size__tile_overlayer_lowered;
	s7 =	simm.s32 $_tile_overlayer_lowered  }
0x9c: {  	s23 =	simm.s32 $0x1BFF;
	s22 =	sshll.u32 s7, $0x1;
	s4 =	sadd.s32 s5, s20  }
0x9d: {  	s8 =	simm.s32 $0x0;
	s21 =	sshll.u32 s6, $0x1;
	s6 =	sadd.s32 s22, s4  }
0x9e: {  	[timem:s8], [sflag:s23] =	dma.local [hbm:s6], s21  }
0x9f: {  	_ =	swait.ge [sflag:s23], s21  }
0xa0: {  	s5 =	ssub.s32 $0x0, s21;
	[sflag:s23] =	ssyncset.done $0x0  }
0xa1: {  	[sflag:s23] =	ssyncadd.s32 s5;
	_ =	sdelay $0x1  }
0xa2: {  	s24 =	simm.s32 $0x1B8B  }
0xa3: {  	_ =	swait.ge [sflag:s24], $0x1  }
0xa4: {  	[sflag:s24] =	ssyncset.done $0x0  }
0xa5: {  	s25 =	simm.s32 $0x1B8E;
	[sflag:s24] =	ssyncadd.s32 $0xFFFFFFFF  }
0xa6: {  	s26 =	simm.s32 $execute0_lowered;
	[smem:$0x3FD2] =	sst s25  }
0xa7: {  	s5 =	sshll.u32 s26, $0x1;
	_ =	strace $0x80000046;
	[dreg:$0x1] =	wrdreg $0xFFFFFFFF  }
0xa8: {  	s28 =	simm.s32 $_size_execute0_lowered;
	s4 =	sadd.s32 s4, s5;
	[dreg:$0x0] =	wrdreg $0x0  }
0xa9: {  	s5 =	sshll.u32 s28, $0x1;
	[dreg:$0x2] =	wrdreg s4  }
0xaa: {  	[dreg:$0x3] =	wrdreg s5  }
0xab: {  	[dreg:$0x4] =	wrdreg $0xC0  }
0xac: {  	_ =	task [dreg:s8], $0x5FFFF  }
0xad: {  	[dreg:$0x1] =	wrdreg $0xFFFFFFFF  }
0xae: {  	[dreg:$0x0] =	wrdreg $0x60  }
0xaf: {  	[dreg:$0x2] =	wrdreg s2  }
0xb0: {  	[dreg:$0x3] =	wrdreg s19  }
0xb1: {  	[dreg:$0x4] =	wrdreg $0x9  }
0xb2: {  	_ =	task.clear_ibuf [dreg:s8], $0x5FFFF;
	_ =	strace $0x90000046  }
0xb3: {  	s29 =	simm.s32 $0x9;
	_ =	strace $0x80000048  }
0xb4: {  	_ =	swait.ge [sflag:s29], $0x1  }
0xb5: {  	[sflag:s29] =	ssyncadd.s32 $0xFFFFFFFF  }
0xb6: {  	_ =	strace $0x90000048  }
0xb7: {  	_ =	sfence  }
0xb8: {  	s30 =	sld [smem:$0x0];
	_ =	sdelay $0x2  }
0xb9: {  	s31 =	sshll.u32 s1, $0xD;
	s1 =	sshrl.u32 s1, $0x2  }
0xba: {  	s3 =	sand.u32 $0x4000, s31;
	s1 =	sadd.s32 s1, s30  }
0xbb: {  	s0 =	sor.u32 s3, s0;
	s1 =	sshll.u32 s1, $0x11  }
0xbc: {  	s0 =	sor.u32 s1, s0  }
0xbd: {  	s0 =	sadd.s32 $0x8F2B, s0  }
0xbe: {  	[sflag:s0] =	ssyncadd.remote.s32 $0x1  }
0xbf: {  	_ =	sfence.sel $0xFFFF  }
0xc0: {  	[dreg:$0x0] =	wrdreg $0xFFFFFFFF;
	(pc) =	sbr.abs _section_cstart, $3  }
0xc1: {  	[dreg:$0x1] =	wrdreg $0xFFFFFFFF  }
0xc2: {  	_ =	task.clear_ibuf [dreg:s8], $0x2FFFF;
	_ =	strace $0x9FFFFFFF  }
0xc3: {  	(tm) =	ssettm $0x7FFFFFFF  }
tec
execute0_lowered:
.L_overlay_start_1:
0x0: {  	(tag) =	ssettag $0x1  }
0x1: {  	s10 =	stileid.u32  }
0x2: {  	s0 =	srdreg.scid;
	s1 =	smul.u32 $0x28000, s10  }
0x3: {  	s3 =	sand.u32 $0x1, s0;
	s8 =	smul.u32 $0xD0000, s10  }
0x4: {  	s4 =	rddreg [dreg:$0x0];
	s2 =	smul.u32 $0x14000, s3  }
0x5: {  	s0 =	rddreg [dreg:$0x1];
	s17 =	ssub.s32 $0x2, s3;
	s3 =	smul.u32 $0x68000, s3  }
0x6: {  	s7 =	sshrl.u32 s17, $0x1;
	s5 =	sadd.s32 s2, s1;
	s1 =	simm.s32 $0x0  }
0x7: {  	s2 =	ssub.s32 s17, s7;
	s3 =	sadd.s32 s3, s8;
	s6 =	sadd.s32 $0x10000, s5  }
0x8: {  	[smem:$0x7FF] =	sst s1;
	s18 =	sadd.s32 $0xC000, s5;
	s19 =	sadd.s32 $0x8000, s5  }
0x9: {  	s9 =	sadd.s32 $0x4000, s5;
	s5 =	sshrl.u32 s5, $0x3;
	s22 =	sadd.s32 $0x64000, s3  }
0xa: {  	s23 =	sadd.s32 $0x60000, s3;
	s24 =	sadd.s32 $0x5C000, s3;
	s11 =	sadd.s32 $0x4C000, s3  }
0xb: {  	s12 =	sadd.s32 $0x48000, s3;
	s13 =	sadd.s32 $0x44000, s3;
	s16 =	sadd.s32 $0x40000, s3  }
0xc: {  	s17 =	sadd.s32 $0x3C000, s3;
	s2 =	smax.u32 s2, $0x1;
	s6 =	sshrl.u32 s6, $0x3  }
0xd: {  	s7 =	sshrl.u32 s19, $0x3;
	s21 =	sshrl.u32 s9, $0x3;
	s26 =	sshrl.u32 s24, $0x3  }
0xe: {  	s15 =	sshrl.u32 s13, $0x3;
	s24 =	sadd.s32 $0x28000, s3;
	s6 =	sadd.s32 s6, s4  }
0xf: {  	s13 =	sadd.s32 $0xC000, s3;
	s20 =	sadd.s32 s7, s4;
	[dreg:$0x3] =	wrdreg s6  }
0x10: {  	s7 =	sadd.s32 $0x50000, s3;
	s6 =	sshrl.u32 s18, $0x3;
	[dreg:$0x5] =	wrdreg s20  }
0x11: {  	s9 =	sshrl.u32 s7, $0x3;
	s18 =	sadd.s32 $0x38000, s3;
	s20 =	sadd.s32 $0x34000, s3  }
0x12: {  	s7 =	sadd.s32 $0x1C000, s3;
	s6 =	sadd.s32 s6, s4;
	s19 =	sshrl.u32 s18, $0x3  }
0x13: {  	[dreg:$0x4] =	wrdreg s6;
	s6 =	sadd.s32 s21, s4;
	s4 =	sadd.s32 s5, s4  }
0x14: {  	s5 =	sshrl.u32 s23, $0x3;
	s18 =	sadd.s32 s19, s0;
	[dreg:$0x6] =	wrdreg s6  }
0x15: {  	s21 =	sadd.s32 $0x30000, s3;
	[dreg:$0x7] =	wrdreg s4;
	s4 =	sshrl.u32 s22, $0x3  }
0x16: {  	s25 =	sadd.s32 s5, s0;
	s5 =	sadd.s32 $0x58000, s3;
	s6 =	sadd.s32 $0x54000, s3  }
0x17: {  	s22 =	sadd.s32 $0x2C000, s3;
	s4 =	sadd.s32 s4, s0;
	[dreg:$0x9] =	wrdreg s25  }
0x18: {  	s23 =	sshrl.u32 s22, $0x3;
	[dreg:$0x8] =	wrdreg s4;
	s4 =	sadd.s32 s26, s0  }
0x19: {  	s25 =	sadd.s32 $0x24000, s3;
	[dreg:$0xa] =	wrdreg s4;
	s4 =	sshrl.u32 s5, $0x3  }
0x1a: {  	s26 =	sadd.s32 $0x20000, s3;
	s5 =	sshrl.u32 s6, $0x3;
	s4 =	sadd.s32 s4, s0  }
0x1b: {  	s6 =	sshrl.u32 s26, $0x3;
	s8 =	sadd.s32 s5, s0;
	[dreg:$0xb] =	wrdreg s4  }
0x1c: {  	s5 =	sshrl.u32 s12, $0x3;
	s12 =	sadd.s32 $0x10000, s3;
	[dreg:$0xc] =	wrdreg s8  }
0x1d: {  	s4 =	sadd.s32 s9, s0;
	s14 =	sadd.s32 s5, s0;
	s5 =	sshrl.u32 s17, $0x3  }
0x1e: {  	s8 =	sadd.s32 $0x18000, s3;
	s9 =	sadd.s32 $0x14000, s3;
	[dreg:$0xd] =	wrdreg s4  }
0x1f: {  	s4 =	sshrl.u32 s11, $0x3;
	[dreg:$0xf] =	wrdreg s14;
	s17 =	sadd.s32 s5, s0  }
0x20: {  	s5 =	sshrl.u32 s21, $0x3;
	s21 =	sadd.s32 s23, s0;
	s11 =	sshrl.u32 s9, $0x3  }
0x21: {  	s14 =	sadd.s32 $0x8000, s3;
	s3 =	sshrl.u32 s3, $0x3;
	s4 =	sadd.s32 s4, s0  }
0x22: {  	s28 =	sadd.s32 s11, s0;
	[dreg:$0xe] =	wrdreg s4;
	s4 =	sadd.s32 s15, s0  }
0x23: {  	s15 =	sshrl.u32 s14, $0x3;
	[dreg:$0x10] =	wrdreg s4;
	s4 =	sshrl.u32 s16, $0x3  }
0x24: {  	s29 =	sadd.s32 s15, s0;
	s16 =	sshll.u32 s10, $0x1;
	s4 =	sadd.s32 s4, s0  }
0x25: {  	s10 =	simm.s32 $0x0;
	[dreg:$0x11] =	wrdreg s4;
	s4 =	sshrl.u32 s20, $0x3  }
0x26: {  	s20 =	sadd.s32 s5, s0;
	s5 =	sshrl.u32 s25, $0x3;
	s19 =	sadd.s32 s4, s0  }
0x27: {  	s4 =	sshrl.u32 s24, $0x3;
	s23 =	sadd.s32 s5, s0;
	s24 =	sadd.s32 s6, s0  }
0x28: {  	s5 =	sshrl.u32 s8, $0x3;
	_ =	strace $0x80000047;
	[dreg:$0x12] =	wrdreg s2  }
0x29: {  	[dreg:$0x13] =	wrdreg s16;
	s6 =	simm.s32 $0xC000;
	s2 =	simm.s32 $0x10000  }
.Ltmp0:
0x2a: {  	s8 =	simm.s32 $0x2;
	s22 =	sadd.s32 s4, s0;
	(pc) =	sbr.rel .LBB2_1-.Ltmp0, $4  }
0x2b: {  	s4 =	sshrl.u32 s7, $0x3;
	s26 =	sadd.s32 s5, s0;
	s5 =	sshrl.u32 s13, $0x3  }
0x2c: {  	s7 =	simm.s32 $0x3;
	s25 =	sadd.s32 s4, s0;
	s4 =	sshrl.u32 s12, $0x3  }
0x2d: {  	s31 =	sadd.s32 s5, s0;
	s5 =	simm.s32 $0x8000;
	s30 =	sadd.s32 s4, s0  }
0x2e: {  	s0 =	sadd.s32 s3, s0;
	s4 =	simm.s32 $0x4000;
	s3 =	simm.s32 $0x1  }
.LBB2_5:
0x2f: {  	s10 =	rddreg [dreg:$0x14]  }
0x30: {  	s9 =	rddreg [dreg:$0x12];
	s10 =	sadd.s32 $0x1, s10  }
0x31: {  	p0 =	sne.s32 s10, s9  }
.Ltmp1:
0x32: {  	_ = 	snop;
	(pc) =	sbr.rel @!p0 .LBB2_6-.Ltmp1, $1  }
0x33: {  	_ =	sdelay $0x3  }
.LBB2_1:
0x34: {  	[dreg:$0x14] =	wrdreg s10  }
0x35: {  	s9 =	rddreg [dreg:$0x13]  }
.Ltmp2:
0x36: {  	s10 =	rddreg [dreg:$0x7];
	(pc) =	sbr.rel .LBB2_2-.Ltmp2, $4  }
0x37: {  	s11 =	rddreg [dreg:$0x6]  }
0x38: {  	s12 =	rddreg [dreg:$0x5]  }
0x39: {  	s13 =	rddreg [dreg:$0x4]  }
0x3a: {  	s14 =	rddreg [dreg:$0x3];
	s15 =	simm.s32 $0x0  }
.LBB2_4:
0x3b: {  	s15 =	sadd.s32 $0x1A0000, s15  }
0x3c: {  	p0 =	sne.s32 s15, $0x1040000  }
.Ltmp3:
0x3d: {  	_ = 	snop;
	(pc) =	sbr.rel @!p0 .LBB2_5-.Ltmp3, $3  }
0x3e: {  	_ =	sdelay $0x1  }
0x3f: {  	s14 =	sadd.s32 $0x50000, s14;
	s13 =	sadd.s32 $0x50000, s13;
	s12 =	sadd.s32 $0x50000, s12  }
0x40: {  	s11 =	sadd.s32 $0x50000, s11;
	s10 =	sadd.s32 $0x50000, s10;
	s9 =	sadd.s32 $0x20, s9  }
.LBB2_2:
0x41: {  	p0 =	sgt.u32 s9, $0x12B  }
.Ltmp4:
0x42: {  	_ = 	snop;
	(pc) =	sbr.rel @p0 .LBB2_4-.Ltmp4, $1  }
0x43: {  	_ =	sdelay $0x3  }
0x44: {  	[tilespmem:s1], [sflag:$0x1] =	stream.linear.gather [hbm4b:s10+s1], $0x4000, $0x38;
	[tilespmem:$0x14000] =	vst v63  }
0x45: {  	_ = 	snop  }
0x46: {  	[tilespmem:s4], [sflag:$0x1] =	stream.linear.gather [hbm4b:s11+s1], $0x4000, $0x38;
	[tilespmem:$0x14000] =	vst v63  }
0x47: {  	_ = 	snop  }
0x48: {  	[tilespmem:s5], [sflag:$0x1] =	stream.linear.gather [hbm4b:s12+s1], $0x4000, $0x38;
	[tilespmem:$0x14000] =	vst v63  }
0x49: {  	_ = 	snop  }
0x4a: {  	[tilespmem:s6], [sflag:$0x1] =	stream.linear.gather [hbm4b:s13+s1], $0x4000, $0x38;
	[tilespmem:$0x14000] =	vst v63  }
0x4b: {  	_ = 	snop  }
0x4c: {  	[tilespmem:s2], [sflag:$0x1] =	stream.linear.gather [hbm4b:s14+s1], $0x4000, $0x38;
	[tilespmem:$0x14000] =	vst v63  }
0x4d: {  	_ =	swait.ge [sflag:s3], $0x4000  }
0x4e: {  	[sflag:s3] =	ssyncset.done $0x0  }
0x4f: {  	s16 =	sadd.s32 s15, s0;
	[sflag:s3] =	ssyncadd.s32 $0xFFFFC000  }
0x50: {  	[hbm4b:s16+s1] =	stream.linear.scatter [tilespmem:s1], [sflag:$0x3], $0x4000, $0x38;
	[tilespmem:$0x14000] =	vst v63  }
0x51: {  	_ =	swait.ge [sflag:s7], $0x4000  }
0x52: {  	[sflag:s7] =	ssyncset.done $0x0  }
0x53: {  	s16 =	sadd.s32 $0x800, s16;
	[sflag:s7] =	ssyncadd.s32 $0xFFFFC000  }
0x54: {  	[hbm4b:s16+s1] =	stream.linear.scatter [tilespmem:s1], [sflag:$0x3], $0x4000, $0x38;
	[tilespmem:$0x14000] =	vst v63  }
0x55: {  	_ =	swait.ge [sflag:s7], $0x4000  }
0x56: {  	[sflag:s7] =	ssyncset.done $0x0  }
0x57: {  	s16 =	sadd.s32 s15, s29;
	[sflag:s7] =	ssyncadd.s32 $0xFFFFC000  }
0x58: {  	[hbm4b:s16+s1] =	stream.linear.scatter [tilespmem:s1], [sflag:$0x3], $0x4000, $0x38;
	[tilespmem:$0x14000] =	vst v63  }
0x59: {  	_ =	swait.ge [sflag:s7], $0x4000  }
0x5a: {  	[sflag:s7] =	ssyncset.done $0x0  }
0x5b: {  	s16 =	sadd.s32 s15, s31;
	[sflag:s7] =	ssyncadd.s32 $0xFFFFC000  }
0x5c: {  	[hbm4b:s16+s1] =	stream.linear.scatter [tilespmem:s1], [sflag:$0x3], $0x4000, $0x38;
	[tilespmem:$0x14000] =	vst v63  }
0x5d: {  	_ =	swait.ge [sflag:s7], $0x4000  }
0x5e: {  	[sflag:s7] =	ssyncset.done $0x0  }
0x5f: {  	[sflag:s7] =	ssyncadd.s32 $0xFFFFC000  }
0x60: {  	_ =	swait.ge [sflag:s3], $0x4000  }
0x61: {  	[sflag:s3] =	ssyncset.done $0x0  }
0x62: {  	s16 =	sadd.s32 s15, s30;
	[sflag:s3] =	ssyncadd.s32 $0xFFFFC000  }
0x63: {  	[hbm4b:s16+s1] =	stream.linear.scatter [tilespmem:s4], [sflag:$0x3], $0x4000, $0x38;
	[tilespmem:$0x14000] =	vst v63  }
0x64: {  	_ =	swait.ge [sflag:s7], $0x4000  }
0x65: {  	[sflag:s7] =	ssyncset.done $0x0  }
0x66: {  	s16 =	sadd.s32 s15, s28;
	[sflag:s7] =	ssyncadd.s32 $0xFFFFC000  }
0x67: {  	[hbm4b:s16+s1] =	stream.linear.scatter [tilespmem:s4], [sflag:$0x3], $0x4000, $0x38;
	[tilespmem:$0x14000] =	vst v63  }
0x68: {  	_ =	swait.ge [sflag:s7], $0x4000  }
0x69: {  	[sflag:s7] =	ssyncset.done $0x0  }
0x6a: {  	s16 =	sadd.s32 s15, s26;
	[sflag:s7] =	ssyncadd.s32 $0xFFFFC000  }
0x6b: {  	[hbm4b:s16+s1] =	stream.linear.scatter [tilespmem:s4], [sflag:$0x3], $0x4000, $0x38;
	[tilespmem:$0x14000] =	vst v63  }
0x6c: {  	_ =	swait.ge [sflag:s7], $0x4000  }
0x6d: {  	[sflag:s7] =	ssyncset.done $0x0  }
0x6e: {  	[sflag:s7] =	ssyncadd.s32 $0xFFFFC000  }
0x6f: {  	_ =	swait.ge [sflag:s3], $0x4000  }
0x70: {  	[sflag:s3] =	ssyncset.done $0x0  }
0x71: {  	s16 =	sadd.s32 s15, s25;
	[sflag:s3] =	ssyncadd.s32 $0xFFFFC000  }
0x72: {  	[hbm4b:s16+s1] =	stream.linear.scatter [tilespmem:s5], [sflag:$0x3], $0x4000, $0x38;
	[tilespmem:$0x14000] =	vst v63  }
0x73: {  	_ =	swait.ge [sflag:s7], $0x4000  }
0x74: {  	[sflag:s7] =	ssyncset.done $0x0  }
0x75: {  	s16 =	sadd.s32 s15, s24;
	[sflag:s7] =	ssyncadd.s32 $0xFFFFC000  }
0x76: {  	[hbm4b:s16+s1] =	stream.linear.scatter [tilespmem:s5], [sflag:$0x3], $0x4000, $0x38;
	[tilespmem:$0x14000] =	vst v63  }
0x77: {  	_ =	swait.ge [sflag:s7], $0x4000  }
0x78: {  	[sflag:s7] =	ssyncset.done $0x0  }
0x79: {  	s16 =	sadd.s32 s15, s23;
	[sflag:s7] =	ssyncadd.s32 $0xFFFFC000  }
0x7a: {  	[hbm4b:s16+s1] =	stream.linear.scatter [tilespmem:s5], [sflag:$0x3], $0x4000, $0x38;
	[tilespmem:$0x14000] =	vst v63  }
0x7b: {  	_ =	swait.ge [sflag:s7], $0x4000  }
0x7c: {  	[sflag:s7] =	ssyncset.done $0x0  }
0x7d: {  	s16 =	sadd.s32 s15, s22;
	[sflag:s7] =	ssyncadd.s32 $0xFFFFC000  }
0x7e: {  	[hbm4b:s16+s1] =	stream.linear.scatter [tilespmem:s5], [sflag:$0x3], $0x4000, $0x38;
	[tilespmem:$0x14000] =	vst v63  }
0x7f: {  	_ =	swait.ge [sflag:s7], $0x4000  }
0x80: {  	[sflag:s7] =	ssyncset.done $0x0  }
0x81: {  	s16 =	sadd.s32 s15, s21;
	[sflag:s7] =	ssyncadd.s32 $0xFFFFC000  }
0x82: {  	[hbm4b:s16+s1] =	stream.linear.scatter [tilespmem:s5], [sflag:$0x3], $0x4000, $0x38;
	[tilespmem:$0x14000] =	vst v63  }
0x83: {  	_ =	swait.ge [sflag:s7], $0x4000  }
0x84: {  	[sflag:s7] =	ssyncset.done $0x0  }
0x85: {  	s16 =	sadd.s32 s15, s20;
	[sflag:s7] =	ssyncadd.s32 $0xFFFFC000  }
0x86: {  	[hbm4b:s16+s1] =	stream.linear.scatter [tilespmem:s5], [sflag:$0x3], $0x4000, $0x38;
	[tilespmem:$0x14000] =	vst v63  }
0x87: {  	_ =	swait.ge [sflag:s7], $0x4000  }
0x88: {  	[sflag:s7] =	ssyncset.done $0x0  }
0x89: {  	s16 =	sadd.s32 s15, s19;
	[sflag:s7] =	ssyncadd.s32 $0xFFFFC000  }
0x8a: {  	[hbm4b:s16+s1] =	stream.linear.scatter [tilespmem:s5], [sflag:$0x3], $0x4000, $0x38;
	[tilespmem:$0x14000] =	vst v63  }
0x8b: {  	_ =	swait.ge [sflag:s7], $0x4000  }
0x8c: {  	[sflag:s7] =	ssyncset.done $0x0  }
0x8d: {  	[sflag:s7] =	ssyncadd.s32 $0xFFFFC000  }
0x8e: {  	_ =	swait.ge [sflag:s3], $0x4000  }
0x8f: {  	[sflag:s3] =	ssyncset.done $0x0  }
0x90: {  	s16 =	sadd.s32 s15, s18;
	[sflag:s3] =	ssyncadd.s32 $0xFFFFC000  }
0x91: {  	[hbm4b:s16+s1] =	stream.linear.scatter [tilespmem:s6], [sflag:$0x3], $0x4000, $0x38;
	[tilespmem:$0x14000] =	vst v63  }
0x92: {  	_ =	swait.ge [sflag:s7], $0x4000  }
0x93: {  	[sflag:s7] =	ssyncset.done $0x0  }
0x94: {  	s16 =	sadd.s32 s15, s17;
	[sflag:s7] =	ssyncadd.s32 $0xFFFFC000  }
0x95: {  	[hbm4b:s16+s1] =	stream.linear.scatter [tilespmem:s6], [sflag:$0x3], $0x4000, $0x38;
	[tilespmem:$0x14000] =	vst v63  }
0x96: {  	_ =	swait.ge [sflag:s7], $0x4000  }
0x97: {  	[sflag:s7] =	ssyncset.done $0x0;
	s16 =	rddreg [dreg:$0x11]  }
0x98: {  	[sflag:s7] =	ssyncadd.s32 $0xFFFFC000;
	s16 =	sadd.s32 s15, s16  }
0x99: {  	[hbm4b:s16+s1] =	stream.linear.scatter [tilespmem:s6], [sflag:$0x3], $0x4000, $0x38;
	[tilespmem:$0x14000] =	vst v63  }
0x9a: {  	_ =	swait.ge [sflag:s7], $0x4000  }
0x9b: {  	[sflag:s7] =	ssyncset.done $0x0;
	s16 =	rddreg [dreg:$0x10]  }
0x9c: {  	[sflag:s7] =	ssyncadd.s32 $0xFFFFC000;
	s16 =	sadd.s32 s15, s16  }
0x9d: {  	[hbm4b:s16+s1] =	stream.linear.scatter [tilespmem:s6], [sflag:$0x3], $0x4000, $0x38;
	[tilespmem:$0x14000] =	vst v63  }
0x9e: {  	_ =	swait.ge [sflag:s7], $0x4000  }
0x9f: {  	[sflag:s7] =	ssyncset.done $0x0;
	s16 =	rddreg [dreg:$0xf]  }
0xa0: {  	[sflag:s7] =	ssyncadd.s32 $0xFFFFC000;
	s16 =	sadd.s32 s15, s16  }
0xa1: {  	[hbm4b:s16+s1] =	stream.linear.scatter [tilespmem:s6], [sflag:$0x3], $0x4000, $0x38;
	[tilespmem:$0x14000] =	vst v63  }
0xa2: {  	_ =	swait.ge [sflag:s7], $0x4000  }
0xa3: {  	[sflag:s7] =	ssyncset.done $0x0;
	s16 =	rddreg [dreg:$0xe]  }
0xa4: {  	[sflag:s7] =	ssyncadd.s32 $0xFFFFC000;
	s16 =	sadd.s32 s15, s16  }
0xa5: {  	[hbm4b:s16+s1] =	stream.linear.scatter [tilespmem:s6], [sflag:$0x3], $0x4000, $0x38;
	[tilespmem:$0x14000] =	vst v63  }
0xa6: {  	_ =	swait.ge [sflag:s7], $0x4000  }
0xa7: {  	[sflag:s7] =	ssyncset.done $0x0  }
0xa8: {  	[sflag:s7] =	ssyncadd.s32 $0xFFFFC000  }
0xa9: {  	_ =	swait.ge [sflag:s3], $0x4000  }
0xaa: {  	[sflag:s3] =	ssyncset.done $0x0;
	s16 =	rddreg [dreg:$0xd]  }
0xab: {  	[sflag:s3] =	ssyncadd.s32 $0xFFFFC000;
	s16 =	sadd.s32 s15, s16  }
0xac: {  	[hbm4b:s16+s1] =	stream.linear.scatter [tilespmem:s2], [sflag:$0x3], $0x4000, $0x38;
	[tilespmem:$0x14000] =	vst v63  }
0xad: {  	_ =	swait.ge [sflag:s7], $0x4000  }
0xae: {  	[sflag:s7] =	ssyncset.done $0x0;
	s16 =	rddreg [dreg:$0xc]  }
0xaf: {  	[sflag:s7] =	ssyncadd.s32 $0xFFFFC000;
	s16 =	sadd.s32 s15, s16  }
0xb0: {  	[hbm4b:s16+s1] =	stream.linear.scatter [tilespmem:s2], [sflag:$0x3], $0x4000, $0x38;
	[tilespmem:$0x14000] =	vst v63  }
0xb1: {  	_ =	swait.ge [sflag:s7], $0x4000  }
0xb2: {  	[sflag:s7] =	ssyncset.done $0x0;
	s16 =	rddreg [dreg:$0xb]  }
0xb3: {  	[sflag:s7] =	ssyncadd.s32 $0xFFFFC000;
	s16 =	sadd.s32 s15, s16  }
0xb4: {  	[hbm4b:s16+s1] =	stream.linear.scatter [tilespmem:s2], [sflag:$0x3], $0x4000, $0x38;
	[tilespmem:$0x14000] =	vst v63  }
0xb5: {  	_ =	swait.ge [sflag:s7], $0x4000  }
0xb6: {  	[sflag:s7] =	ssyncset.done $0x0;
	s16 =	rddreg [dreg:$0xa]  }
0xb7: {  	[sflag:s7] =	ssyncadd.s32 $0xFFFFC000;
	s16 =	sadd.s32 s15, s16  }
0xb8: {  	[hbm4b:s16+s1] =	stream.linear.scatter [tilespmem:s2], [sflag:$0x3], $0x4000, $0x38;
	[tilespmem:$0x14000] =	vst v63  }
0xb9: {  	_ =	swait.ge [sflag:s7], $0x4000  }
0xba: {  	[sflag:s7] =	ssyncset.done $0x0;
	s16 =	rddreg [dreg:$0x9]  }
0xbb: {  	[sflag:s7] =	ssyncadd.s32 $0xFFFFC000;
	s16 =	sadd.s32 s15, s16  }
0xbc: {  	[hbm4b:s16+s1] =	stream.linear.scatter [tilespmem:s2], [sflag:$0x3], $0x4000, $0x38;
	[tilespmem:$0x14000] =	vst v63  }
0xbd: {  	_ =	swait.ge [sflag:s7], $0x4000  }
0xbe: {  	[sflag:s7] =	ssyncset.done $0x0;
	s16 =	rddreg [dreg:$0x8]  }
.Ltmp5:
0xbf: {  	[sflag:s7] =	ssyncadd.s32 $0xFFFFC000;
	s16 =	sadd.s32 s15, s16;
	(pc) =	sbr.rel .LBB2_4-.Ltmp5, $4  }
0xc0: {  	[hbm4b:s16+s1] =	stream.linear.scatter [tilespmem:s2], [sflag:$0x2], $0x4000, $0x38;
	[tilespmem:$0x14000] =	vst v63  }
0xc1: {  	_ =	swait.ge [sflag:s8], $0x4000  }
0xc2: {  	[sflag:s8] =	ssyncset.done $0x0  }
0xc3: {  	[sflag:s8] =	ssyncadd.s32 $0xFFFFC000  }
.LBB2_6:
0xc4: {  	_ =	sfence.sel $0x180000  }
0xc5: {  	[bflag:$0x0] =	sbarrier.arrive $0xFFFF  }
0xc6: {  	_ =	strace $0x90000047  }
0xc7: {  	s0 =	stileid.u32;
	[bflag:$0x2] =	sbarrier.arrive $0xFFFF  }
0xc8: {  	p0 =	sne.s32 s0, $0x0;
	s0 =	rddreg [dreg:$0x2]  }
0xc9: {  	s0 =	sadd.s32 @!p0 $0x100000, s0  }
0xca: {  	[sflag:s0] =	ssyncadd.tile.s32 @!p0 $0x1;
	_ =	shalt  }
.Lfunc_end2:
_tile_overlayer_lowered:
.L_overlay_start_2:
0xcb: {  	(tag) =	ssettag $0x2  }
0xcc: {  	s0 =	rddreg [dreg:$0x0];
	s2 =	stileid.u32  }
0xcd: {  	s1 =	rddreg [dreg:$0x1];
	p0 =	sne.s32 s2, $0x0  }
0xce: {  	s3 =	rddreg [dreg:$0x2];
	[bflag:$0x3] =	sbarrier.arrive $0xFFFF;
	s2 =	simm.s32 @!p0 $0x1C02  }
0xcf: {  	[timem:s3], [sflag:s2] =	dma.local @!p0 [hbm:s0], s1  }
0xd0: {  	s0 =	simm.s32 @!p0 $0x2  }
0xd1: {  	_ =	swait.ge @!p0 [sflag:s0], s1  }
0xd2: {  	s1 =	ssub.s32 @!p0 $0x0, s1;
	[sflag:s0] =	ssyncset.done @!p0 $0x0  }
0xd3: {  	[sflag:s0] =	ssyncadd.s32 @!p0 s1  }
0xd4: {  	[bflag:$0x3] =	sbarrier.arrive $0xFFFF  }
0xd5: {  	_ =	shalt  }

</sc_bundles>
